<compile_context>
chip_gen: v7x
topology: tpu7x:2x2x1
jax: 0.10.2.dev20260603
libtpu: 0.0.44.dev20260713+nightly
codegen_flags: <defaults>
</compile_context>

<pallas_src>
import functools
import jax
import jax.numpy as jnp
from jax import lax
from jax.experimental import pallas as pl
from jax.experimental.pallas import tpu as pltpu
from jax.experimental.pallas import tpu_sc as plsc

_N = 10000
_B = 8
_F = 128
_H = 32
_P = 4
_E = 320000
_NPAD = 10240
_DUMMY = 10000
_NC = 2
_NS = 16
_K = 80
_ASTEPS = _E // (_NC * _NS) // _K
_CSTEPS = _E // _NS // _K
_WSTEPS = 50
_NWIN = _CSTEPS // _WSTEPS
_AWSTEPS = 25
_AWIN = _ASTEPS // _AWSTEPS
_TILEN = 2000
_NBLK = _N // _TILEN


def _for(n, f):
    def body(i, carry):
        f(i)
        return carry
    lax.fori_loop(0, n, body, 0)


def _deg_sc_body(rows_hbm, cols_hbm, deg_out, r2, c2, ones_v, stage, acc):
    core = lax.axis_index("c")
    tile = lax.axis_index("s")
    wid = core * _NS + tile
    row0 = tile * 640

    def fill(i):
        s = i // 2
        j = i % 2
        ones_v[s, pl.ds(j * 16, 16)] = jnp.full((16,), 1.0, jnp.float32)
        stage[s, pl.ds(j * 16, 16)] = jnp.zeros((16,), jnp.float32)
    _for(_K * 2, fill)

    def zero(m):
        pltpu.sync_copy(stage, acc.at[pl.ds(row0 + m * _K, _K)])
    _for(8, zero)
    plsc.subcore_barrier()

    def win(w):
        pltpu.sync_copy(rows_hbm.at[wid, w], r2)
        pltpu.sync_copy(cols_hbm.at[wid, w], c2)

        def mask(i):
            s = i // 5
            j = i % 5
            r = r2[s, pl.ds(j * 16, 16)]
            c = c2[s, pl.ds(j * 16, 16)]
            c2[s, pl.ds(j * 16, 16)] = jnp.where(r == c, _DUMMY, c)
        _for(_AWSTEPS * 5, mask)

        def step(s):
            pltpu.sync_copy(ones_v, acc.at[c2.at[s]], add=True)
        _for(_AWSTEPS, step)
    _for(_AWIN, win)

    plsc.subcore_barrier()

    def dump(m):
        pltpu.sync_copy(acc.at[pl.ds(row0 + m * _K, _K)], stage)
        pltpu.sync_copy(stage, deg_out.at[core, pl.ds(row0 + m * _K, _K)])
    _for(8, dump)


def _prep_body(x2_r, dp_r, w2_r, up_r, dv_r):
    deg = dp_r[0, :, 0] + dp_r[1, :, 0] + 1.0
    dv = lax.rsqrt(deg)
    u = jnp.dot(x2_r[0], w2_r[...], preferred_element_type=jnp.float32)
    u = u * dv[:, None]
    up_r[0, 0] = u[:, :_F]
    up_r[0, 1] = u[:, _F:]
    dv_r[0, 0] = dv


_prep_tc = pl.pallas_call(
    _prep_body,
    grid=(_B, _NBLK),
    in_specs=[
        pl.BlockSpec((1, _TILEN, _P * _F), lambda b, j: (b, j, 0)),
        pl.BlockSpec((_NC, _TILEN, 32), lambda b, j: (0, j, 0)),
        pl.BlockSpec((_P * _F, _P * 2 * _H), lambda b, j: (0, 0)),
    ],
    out_specs=[
        pl.BlockSpec((1, 2, _TILEN, _F), lambda b, j: (b, 0, j, 0)),
        pl.BlockSpec((1, 1, _TILEN), lambda b, j: (j, 0, 0)),
    ],
    out_shape=[
        jax.ShapeDtypeStruct((_B, 2, _N, _F), jnp.float32),
        jax.ShapeDtypeStruct((_NBLK, 1, _TILEN), jnp.float32),
    ],
)


def _scatter_sc_body(rows_hbm, cols_hbm, table_hbm, s_out,
                     r2, c2, idx0, idx1, msg0, msg1, acc, sem0, sem1):
    core = lax.axis_index("c")
    tile = lax.axis_index("s")
    row0 = tile * 640
    msg = msg0

    def one_pass(pi):
        chunk = core * 8 + pi
        base = chunk * _N

        def zfill(i):
            s = i // 8
            j = i % 8
            msg[s, pl.ds(j * 16, 16)] = jnp.zeros((16,), jnp.float32)
        _for(_K * 8, zfill)

        def zero(m):
            pltpu.sync_copy(msg, acc.at[pl.ds(row0 + m * _K, _K)])
        _for(8, zero)
        plsc.subcore_barrier()

        def win(w):
            pltpu.sync_copy(rows_hbm.at[tile, w], r2)
            pltpu.sync_copy(cols_hbm.at[tile, w], c2)

            def mask(i):
                s = i // 5
                j = i % 5
                r = r2[s, pl.ds(j * 16, 16)]
                c = c2[s, pl.ds(j * 16, 16)]
                c2[s, pl.ds(j * 16, 16)] = jnp.where(r == c, _DUMMY, c)
            _for(_WSTEPS * 5, mask)

            def start(s, ib, mb, sem):
                def fill(j):
                    ib[pl.ds(j * 16, 16)] = r2[s, pl.ds(j * 16, 16)] + base
                _for(5, fill)
                pltpu.async_copy(table_hbm.at[ib], mb, sem)

            def drain(s, ib, mb, sem):
                pltpu.make_async_copy(table_hbm.at[ib], mb, sem).wait()
                pltpu.sync_copy(mb, acc.at[c2.at[s]], add=True)

            start(0, idx0, msg0, sem0)

            def pair(t):
                s0 = 2 * t
                start(s0 + 1, idx1, msg1, sem1)
                drain(s0, idx0, msg0, sem0)
                start(s0 + 2, idx0, msg0, sem0)
                drain(s0 + 1, idx1, msg1, sem1)
            _for((_WSTEPS - 2) // 2, pair)
            start(_WSTEPS - 1, idx1, msg1, sem1)
            drain(_WSTEPS - 2, idx0, msg0, sem0)
            drain(_WSTEPS - 1, idx1, msg1, sem1)
        _for(_NWIN, win)
        plsc.subcore_barrier()

        def dump(m):
            pltpu.sync_copy(acc.at[pl.ds(row0 + m * _K, _K)], msg)
            pltpu.sync_copy(msg, s_out.at[chunk, pl.ds(row0 + m * _K, _K)])
        _for(8, dump)
    _for(8, one_pass)


def _gates_body(sp_r, up_r, dv_r, lzw_r, lzb_r, lhw_r, lhb_r,
                bz_r, bh_r, att_r, wl_r, bl_r, out_r):
    dv = dv_r[0, 0]
    S = dv[None, :, None] * (sp_r[0] + up_r[0])
    am = att_r[...]
    e = jnp.exp(am - jnp.max(am))
    probs = e / jnp.sum(e)
    acc = jnp.zeros((_TILEN, _H), jnp.float32)
    for p in range(_P):
        half, pi = p // 2, p % 2
        fs = S[half][:, pi * 64:(pi + 1) * 64]
        cz = fs[:, :_H] + bz_r[...]
        ch = fs[:, _H:] + bh_r[...]
        Z = jax.nn.sigmoid(
            jnp.dot(cz, lzw_r[: _H, :], preferred_element_type=jnp.float32)
            + lzb_r[...])
        Ht = jnp.tanh(
            jnp.dot(ch, lhw_r[: _H, :], preferred_element_type=jnp.float32)
            + lhb_r[...])
        acc = acc + probs[p:p + 1] * ((1.0 - Z) * Ht)
    res = jnp.dot(jnp.maximum(acc, 0.0), wl_r[...],
                  preferred_element_type=jnp.float32) + bl_r[...]
    out_r[0] = res


_gates_tc = pl.pallas_call(
    _gates_body,
    grid=(_B, _NBLK),
    in_specs=[
        pl.BlockSpec((1, 2, _TILEN, _F), lambda b, j: (b, 0, j, 0)),
        pl.BlockSpec((1, 2, _TILEN, _F), lambda b, j: (b, 0, j, 0)),
        pl.BlockSpec((1, 1, _TILEN), lambda b, j: (j, 0, 0)),
        pl.BlockSpec((2 * _H, _H), lambda b, j: (0, 0)),
        pl.BlockSpec((_H,), lambda b, j: (0,)),
        pl.BlockSpec((2 * _H, _H), lambda b, j: (0, 0)),
        pl.BlockSpec((_H,), lambda b, j: (0,)),
        pl.BlockSpec((_H,), lambda b, j: (0,)),
        pl.BlockSpec((_H,), lambda b, j: (0,)),
        pl.BlockSpec((_P,), lambda b, j: (0,)),
        pl.BlockSpec((_H, _P), lambda b, j: (0, 0)),
        pl.BlockSpec((_P,), lambda b, j: (0,)),
    ],
    out_specs=pl.BlockSpec((1, _TILEN, _P), lambda b, j: (b, j, 0)),
    out_shape=jax.ShapeDtypeStruct((_B, _N, _P), jnp.float32),
)


@functools.cache
def _build_sc_kernels():
    mesh = plsc.VectorSubcoreMesh(
        core_axis_name="c", subcore_axis_name="s",
        num_cores=_NC, num_subcores=_NS)
    deg = pl.kernel(
        _deg_sc_body,
        out_type=jax.ShapeDtypeStruct((_NC, _NPAD, 32), jnp.float32),
        mesh=mesh,
        scratch_types=[
            pltpu.VMEM((_AWSTEPS, _K), jnp.int32),
            pltpu.VMEM((_AWSTEPS, _K), jnp.int32),
            pltpu.VMEM((_K, 32), jnp.float32),
            pltpu.VMEM((_K, 32), jnp.float32),
            pltpu.VMEM_SHARED((_NPAD, 32), jnp.float32),
        ],
    )
    scatter = pl.kernel(
        _scatter_sc_body,
        out_type=jax.ShapeDtypeStruct((2 * _B, _NPAD, _F), jnp.float32),
        mesh=mesh,
        scratch_types=[
            pltpu.VMEM((_WSTEPS, _K), jnp.int32),
            pltpu.VMEM((_WSTEPS, _K), jnp.int32),
            pltpu.VMEM((_K,), jnp.int32),
            pltpu.VMEM((_K,), jnp.int32),
            pltpu.VMEM((_K, _F), jnp.float32),
            pltpu.VMEM((_K, _F), jnp.float32),
            pltpu.VMEM_SHARED((_NPAD, _F), jnp.float32),
            pltpu.SemaphoreType.DMA,
            pltpu.SemaphoreType.DMA,
        ],
    )
    return deg, scatter


def kernel(x, edge_index, Wz, bz, Wr, br, Wh, bh,
           LzW, Lzb, LrW, Lrb, LhW, Lhb, att, Wl, bl):
    _deg_sc, _scatter_sc = _build_sc_kernels()
    row = edge_index[0]
    col = edge_index[1]
    rows_a = row.reshape(_NC * _NS, _AWIN, _AWSTEPS, _K)
    cols_a = col.reshape(_NC * _NS, _AWIN, _AWSTEPS, _K)
    rows_c = row.reshape(_NS, _NWIN, _WSTEPS, _K)
    cols_c = col.reshape(_NS, _NWIN, _WSTEPS, _K)
    x2 = x.reshape(_B, _N, _P * _F)
    Wcat = jnp.concatenate([Wz, Wh], axis=1)
    W2 = jnp.einsum('fh,pq->fpqh', Wcat,
                    jnp.eye(_P, dtype=jnp.float32)).reshape(_P * _F, _P * 2 * _H)

    dp = _deg_sc(rows_a, cols_a)
    Up, dinv = _prep_tc(x2, dp, W2)
    table = Up.reshape(2 * _B * _N, _F)
    Sp = _scatter_sc(rows_c, cols_c, table)
    Sp4 = Sp.reshape(_B, 2, _NPAD, _F)
    out = _gates_tc(Sp4, Up, dinv, LzW, Lzb, LhW, Lhb,
                    bz, bh, att, Wl, bl)
    return out

# --- scband reference (transcript-rebuilt; emitter-appended) ---
"""Pipeline reference for scband-temporal-gnn-27298812134106 (READ-ONLY COPY).

The authoritative reference and input builder live on the scoring server;
editing this copy changes nothing except your own understanding.
"""

import jax, jax.numpy as jnp
import numpy as np

N = 10000
B = 8
F_IN = 128
HID = 32
P = 4
E = 320000


def setup_inputs(seed: int = 0) -> dict:
    key = jax.random.key(seed)
    ks = jax.random.split(key, 12)

    def p(k, shape):
        return jax.random.normal(k, shape, dtype=jnp.float32) * 0.05

    inp = {}
    inp["x"] = jax.random.normal(ks[0], (B, N, F_IN, P), dtype=jnp.float32)
    inp["edge_index"] = jax.random.randint(ks[1], (2, E), 0, N, dtype=jnp.int32)
    # GCNConv weights/biases for the three TGCN2 gates (z, r, h)
    inp["Wz"] = p(ks[2], (F_IN, HID)); inp["bz"] = jnp.zeros((HID,), jnp.float32)
    inp["Wr"] = p(ks[3], (F_IN, HID)); inp["br"] = jnp.zeros((HID,), jnp.float32)
    inp["Wh"] = p(ks[4], (F_IN, HID)); inp["bh"] = jnp.zeros((HID,), jnp.float32)
    # Linear layers (2*HID -> HID) for each gate; stored as [in, out]
    inp["LzW"] = p(ks[5], (2 * HID, HID)); inp["Lzb"] = jnp.zeros((HID,), jnp.float32)
    inp["LrW"] = p(ks[6], (2 * HID, HID)); inp["Lrb"] = jnp.zeros((HID,), jnp.float32)
    inp["LhW"] = p(ks[7], (2 * HID, HID)); inp["Lhb"] = jnp.zeros((HID,), jnp.float32)
    # A3TGCN2 attention over periods (uniform init in torch)
    inp["att"] = jax.random.uniform(ks[8], (P,), dtype=jnp.float32)
    # Final Linear(hidden_units -> out_periods)
    inp["Wl"] = p(ks[9], (HID, P)); inp["bl"] = jnp.zeros((P,), jnp.float32)
    return inp


def _gcn_norm(edge_index):
    # PyG gcn_norm with add_remaining_self_loops (fill_value=1.0, edge_weight=ones):
    # existing self-loops are replaced; we zero them out and append fresh loops.
    row, col = edge_index[0], edge_index[1]
    w = jnp.where(row == col, 0.0, 1.0).astype(jnp.float32)
    loop = jnp.arange(N, dtype=edge_index.dtype)
    row_f = jnp.concatenate([row, loop])
    col_f = jnp.concatenate([col, loop])
    w_f = jnp.concatenate([w, jnp.ones((N,), jnp.float32)])
    deg = jnp.zeros((N,), jnp.float32).at[col_f].add(w_f)
    dinv = jnp.where(deg > 0, jax.lax.rsqrt(deg), 0.0)
    norm = dinv[row_f] * w_f * dinv[col_f]
    return row_f, col_f, norm


def _gcn_conv(X, W, b, row_f, col_f, norm):
    # X: [B, N, F]; gather along node dim, scatter-add at targets (flow source_to_target)
    xt = jnp.einsum('bnf,fh->bnh', X, W)
    msg = xt[:, row_f, :] * norm[None, :, None]
    out = jnp.zeros(xt.shape, xt.dtype).at[:, col_f, :].add(msg)
    return out + b


def reference(x, edge_index, Wz, bz, Wr, br, Wh, bh, LzW, Lzb, LrW, Lrb, LhW, Lhb, att, Wl, bl):
    row_f, col_f, norm = _gcn_norm(edge_index)
    H0 = jnp.zeros((B, N, HID), jnp.float32)  # h=None -> zeros each TGCN2 call
    probs = jax.nn.softmax(att)
    H_accum = jnp.zeros((B, N, HID), jnp.float32)
    for pi in range(P):
        Xp = x[:, :, :, pi]
        H = H0
        Z = jax.nn.sigmoid(jnp.concatenate([_gcn_conv(Xp, Wz, bz, row_f, col_f, norm), H], axis=-1) @ LzW + Lzb)
        R = jax.nn.sigmoid(jnp.concatenate([_gcn_conv(Xp, Wr, br, row_f, col_f, norm), H], axis=-1) @ LrW + Lrb)
        Ht = jnp.tanh(jnp.concatenate([_gcn_conv(Xp, Wh, bh, row_f, col_f, norm), H * R], axis=-1) @ LhW + Lhb)
        Hn = Z * H + (1.0 - Z) * Ht
        H_accum = H_accum + probs[pi] * Hn
    h = jax.nn.relu(H_accum)
    return h @ Wl + bl

if __name__ == "__main__":
    import jax
    _d = setup_inputs()
    print(jax.jit(kernel)(*tuple(_d.values())))

</pallas_src>

<mosaic_0001>
#map = affine_map<(d0, d1) -> (0, 0, 0, 0)>
#map1 = affine_map<(d0, d1) -> (0, 0, 0)>
module attributes {stable_mosaic.version = 14 : i64} {
  func.func @_deg_sc_body(%arg0: i32, %arg1: i32, %arg2: memref<32x5x25x80xi32, #tpu.memory_space<hbm>>, %arg3: memref<32x5x25x80xi32, #tpu.memory_space<hbm>>, %arg4: memref<2x10240x32xf32, #tpu.memory_space<hbm>>, %arg5: memref<25x80xi32, #tpu.memory_space<vmem>>, %arg6: memref<25x80xi32, #tpu.memory_space<vmem>>, %arg7: memref<80x32xf32, #tpu.memory_space<vmem>>, %arg8: memref<80x32xf32, #tpu.memory_space<vmem>>, %arg9: memref<10240x32xf32, #tpu.memory_space<vmem_shared>>) attributes {dimension_semantics = [#tpu.dimension_semantics<core_parallel>, #tpu.dimension_semantics<subcore_parallel>], iteration_bounds = array<i64: 2, 16>, scalar_prefetch = 0 : i64, scratch_operands = 5 : i64, tpu.core_type = #tpu.core_type<sc_vector_subcore>, window_params = [{transform_indices = #map}, {transform_indices = #map}, {transform_indices = #map1}]} {
    %mul3A = arith.constant 16 : i32
    %mul3A_0 = arith.muli %arg0, %mul3A : i32
    %add3A = arith.addi %mul3A_0, %arg1 : i32
    %mul3A_1 = arith.constant 640 : i32
    %mul3A_2 = arith.muli %arg1, %mul3A_1 : i32
    %scan3A = arith.constant 0 : i32
    %scan3A_3 = arith.constant 0 : i32
    %scan3A_4 = arith.constant 160 : i32
    %scan3A_5 = arith.addi %scan3A_3, %scan3A_4 : i32
    %scan3A_6 = arith.constant 1 : i32
    scf.for %scan3A_27 = %scan3A_3 to %scan3A_5 step %scan3A_6  : i32 {
      %jit3A = arith.constant 2 : i32
      %div3A = arith.divsi %scan3A_27, %jit3A : i32
      %sign3A = arith.constant 0 : i32
      %sign3A_28 = arith.cmpi sgt, %scan3A_27, %sign3A : i32
      %sign3A_29 = arith.extui %sign3A_28 : i1 to i32
      %sign3A_30 = arith.constant 0 : i32
      %sign3A_31 = arith.cmpi slt, %scan3A_27, %sign3A_30 : i32
      %sign3A_32 = arith.extui %sign3A_31 : i1 to i32
      %sign3A_33 = arith.subi %sign3A_29, %sign3A_32 : i32
      %sign3A_34 = arith.constant 0 : i32
      %sign3A_35 = arith.cmpi sgt, %jit3A, %sign3A_34 : i32
      %sign3A_36 = arith.extui %sign3A_35 : i1 to i32
      %sign3A_37 = arith.constant 0 : i32
      %sign3A_38 = arith.cmpi slt, %jit3A, %sign3A_37 : i32
      %sign3A_39 = arith.extui %sign3A_38 : i1 to i32
      %sign3A_40 = arith.subi %sign3A_36, %sign3A_39 : i32
      %ne3A = arith.cmpi ne, %sign3A_33, %sign3A_40 : i32
      %rem3A = arith.remsi %scan3A_27, %jit3A : i32
      %ne3A_41 = arith.constant 0 : i32
      %ne3A_42 = arith.cmpi ne, %rem3A, %ne3A_41 : i32
      %and3A = arith.andi %ne3A, %ne3A_42 : i1
      %sub3A = arith.constant 1 : i32
      %sub3A_43 = arith.subi %div3A, %sub3A : i32
      %select_n3A = arith.select %and3A, %sub3A_43, %div3A : i32
      %jit3A_44 = arith.constant 2 : i32
      %eq3A = arith.constant 0 : i32
      %eq3A_45 = arith.cmpi eq, %jit3A_44, %eq3A : i32
      %jit3A_46 = arith.constant 1 : i32
      %select_n3A_47 = arith.select %eq3A_45, %jit3A_46, %jit3A_44 : i32
      %rem3A_48 = arith.remsi %scan3A_27, %select_n3A_47 : i32
      %ne3A_49 = arith.constant 0 : i32
      %ne3A_50 = arith.cmpi ne, %rem3A_48, %ne3A_49 : i32
      %lt3A = arith.constant 0 : i32
      %lt3A_51 = arith.cmpi slt, %rem3A_48, %lt3A : i32
      %lt3A_52 = arith.constant 0 : i32
      %lt3A_53 = arith.cmpi slt, %select_n3A_47, %lt3A_52 : i32
      %ne3A_54 = arith.xori %lt3A_51, %lt3A_53 : i1
      %and3A_55 = arith.andi %ne3A_54, %ne3A_50 : i1
      %add3A_56 = arith.addi %rem3A_48, %select_n3A_47 : i32
      %select_n3A_57 = arith.select %and3A_55, %add3A_56, %rem3A_48 : i32
      %broadcast_in_dim3A = arith.constant 1.000000e+00 : f32
      %broadcast_in_dim3A_58 = vector.broadcast %broadcast_in_dim3A : f32 to vector<16xf32>
      %mul3A_59 = arith.constant 16 : i32
      %mul3A_60 = arith.muli %select_n3A_57, %mul3A_59 : i32
      %swap3A = arith.index_cast %select_n3A : i32 to index
      %swap3A_61 = arith.index_cast %mul3A_60 : i32 to index
      %swap3A_62 = tpu.vector_load %arg7[%swap3A, %swap3A_61] {strides = array<i32>} : memref<80x32xf32, #tpu.memory_space<vmem>>, vector<1x16xf32>,
      %swap3A_63 = vector.shape_cast %swap3A_62 : vector<1x16xf32> to vector<16xf32>
      %swap3A_64 = vector.shape_cast %broadcast_in_dim3A_58 : vector<16xf32> to vector<1x16xf32>
      tpu.vector_store %arg7[%swap3A, %swap3A_61], %swap3A_64 {strides = array<i32>} : memref<80x32xf32, #tpu.memory_space<vmem>>, vector<1x16xf32>,
      %broadcast_in_dim3A_65 = arith.constant 0.000000e+00 : f32
      %broadcast_in_dim3A_66 = vector.broadcast %broadcast_in_dim3A_65 : f32 to vector<16xf32>
      %mul3A_67 = arith.constant 16 : i32
      %mul3A_68 = arith.muli %select_n3A_57, %mul3A_67 : i32
      %swap3A_69 = arith.index_cast %select_n3A : i32 to index
      %swap3A_70 = arith.index_cast %mul3A_68 : i32 to index
      %swap3A_71 = tpu.vector_load %arg8[%swap3A_69, %swap3A_70] {strides = array<i32>} : memref<80x32xf32, #tpu.memory_space<vmem>>, vector<1x16xf32>,
      %swap3A_72 = vector.shape_cast %swap3A_71 : vector<1x16xf32> to vector<16xf32>
      %swap3A_73 = vector.shape_cast %broadcast_in_dim3A_66 : vector<16xf32> to vector<1x16xf32>
      tpu.vector_store %arg8[%swap3A_69, %swap3A_70], %swap3A_73 {strides = array<i32>} : memref<80x32xf32, #tpu.memory_space<vmem>>, vector<1x16xf32>,
    }
    %scan3A_7 = arith.constant 160 : i32
    %scan3A_8 = arith.constant 0 : i32
    %scan3A_9 = arith.constant 0 : i32
    %scan3A_10 = arith.constant 8 : i32
    %scan3A_11 = arith.addi %scan3A_9, %scan3A_10 : i32
    %scan3A_12 = arith.constant 1 : i32
    scf.for %scan3A_27 = %scan3A_9 to %scan3A_11 step %scan3A_12  : i32 {
      %mul3A_28 = arith.constant 80 : i32
      %mul3A_29 = arith.muli %scan3A_27, %mul3A_28 : i32
      %add3A_30 = arith.addi %mul3A_2, %mul3A_29 : i32
      "tpu.region"() ({
        %run_scoped3A = tpu.sem_alloc : memref<!tpu.dma_semaphore, #tpu.memory_space<semaphore_mem>>
        %dma_start3A = arith.constant 0 : i32
        %dma_start3A_31 = tpu.memref_slice %arg9[%add3A_30, %dma_start3A] : memref<10240x32xf32, #tpu.memory_space<vmem_shared>> -> memref<80x32xf32, #tpu.memory_space<vmem_shared>>
        %dma_start3A_32 = arith.constant 0 : i32
        %dma_start3A_33 = tpu.memref_slice %arg9[%add3A_30, %dma_start3A_32] : memref<10240x32xf32, #tpu.memory_space<vmem_shared>> -> memref<80x32xf32, #tpu.memory_space<vmem_shared>>
        tpu.enqueue_dma source(%arg8 : memref<80x32xf32, #tpu.memory_space<vmem>>) target(%dma_start3A_33 : memref<80x32xf32, #tpu.memory_space<vmem_shared>>) target_semaphore(%run_scoped3A : memref<!tpu.dma_semaphore, #tpu.memory_space<semaphore_mem>>)
        %dma_wait3A = arith.constant 0 : i32
        %dma_wait3A_34 = tpu.memref_slice %arg9[%add3A_30, %dma_wait3A] : memref<10240x32xf32, #tpu.memory_space<vmem_shared>> -> memref<80x32xf32, #tpu.memory_space<vmem_shared>>
        %dma_wait3A_35 = arith.constant 0 : i32
        %dma_wait3A_36 = tpu.memref_slice %arg9[%add3A_30, %dma_wait3A_35] : memref<10240x32xf32, #tpu.memory_space<vmem_shared>> -> memref<80x32xf32, #tpu.memory_space<vmem_shared>>
        tpu.wait_dma2 semaphore(%run_scoped3A : memref<!tpu.dma_semaphore, #tpu.memory_space<semaphore_mem>>) src(%arg8 : memref<80x32xf32, #tpu.memory_space<vmem>>) dst(%dma_wait3A_36 : memref<80x32xf32, #tpu.memory_space<vmem_shared>>)
        tpu.yield
      }) : () -> ()
    }
    %scan3A_13 = arith.constant 8 : i32
    %barrier3A = arith.constant 0 : index
    tpu.barrier barrier_id(%barrier3A)
    %scan3A_14 = arith.constant 0 : i32
    %scan3A_15 = arith.constant 0 : i32
    %scan3A_16 = arith.constant 5 : i32
    %scan3A_17 = arith.addi %scan3A_15, %scan3A_16 : i32
    %scan3A_18 = arith.constant 1 : i32
    scf.for %scan3A_27 = %scan3A_15 to %scan3A_17 step %scan3A_18  : i32 {
      "tpu.region"() ({
        %run_scoped3A = tpu.sem_alloc : memref<!tpu.dma_semaphore, #tpu.memory_space<semaphore_mem>>
        %dma_start3A = arith.constant 0 : i32
        %dma_start3A_40 = arith.constant 0 : i32
        %dma_start3A_41 = tpu.memref_slice %arg2[%add3A, %scan3A_27, %dma_start3A, %dma_start3A_40] : memref<32x5x25x80xi32, #tpu.memory_space<hbm>> -> memref<1x1x25x80xi32, #tpu.memory_space<hbm>>
        %dma_start3A_42 = tpu.memref_squeeze %dma_start3A_41 : memref<1x1x25x80xi32, #tpu.memory_space<hbm>> -> memref<25x80xi32, #tpu.memory_space<hbm>>
        %dma_start3A_43 = arith.constant 0 : i32
        %dma_start3A_44 = arith.constant 0 : i32
        %dma_start3A_45 = tpu.memref_slice %arg2[%add3A, %scan3A_27, %dma_start3A_43, %dma_start3A_44] : memref<32x5x25x80xi32, #tpu.memory_space<hbm>> -> memref<1x1x25x80xi32, #tpu.memory_space<hbm>>
        %dma_start3A_46 = tpu.memref_squeeze %dma_start3A_45 : memref<1x1x25x80xi32, #tpu.memory_space<hbm>> -> memref<25x80xi32, #tpu.memory_space<hbm>>
        tpu.enqueue_dma source(%dma_start3A_46 : memref<25x80xi32, #tpu.memory_space<hbm>>) target(%arg5 : memref<25x80xi32, #tpu.memory_space<vmem>>) target_semaphore(%run_scoped3A : memref<!tpu.dma_semaphore, #tpu.memory_space<semaphore_mem>>)
        %dma_wait3A = arith.constant 0 : i32
        %dma_wait3A_47 = arith.constant 0 : i32
        %dma_wait3A_48 = tpu.memref_slice %arg2[%add3A, %scan3A_27, %dma_wait3A, %dma_wait3A_47] : memref<32x5x25x80xi32, #tpu.memory_space<hbm>> -> memref<1x1x25x80xi32, #tpu.memory_space<hbm>>
        %dma_wait3A_49 = tpu.memref_squeeze %dma_wait3A_48 : memref<1x1x25x80xi32, #tpu.memory_space<hbm>> -> memref<25x80xi32, #tpu.memory_space<hbm>>
        %dma_wait3A_50 = arith.constant 0 : i32
        %dma_wait3A_51 = arith.constant 0 : i32
        %dma_wait3A_52 = tpu.memref_slice %arg2[%add3A, %scan3A_27, %dma_wait3A_50, %dma_wait3A_51] : memref<32x5x25x80xi32, #tpu.memory_space<hbm>> -> memref<1x1x25x80xi32, #tpu.memory_space<hbm>>
        %dma_wait3A_53 = tpu.memref_squeeze %dma_wait3A_52 : memref<1x1x25x80xi32, #tpu.memory_space<hbm>> -> memref<25x80xi32, #tpu.memory_space<hbm>>
        tpu.wait_dma2 semaphore(%run_scoped3A : memref<!tpu.dma_semaphore, #tpu.memory_space<semaphore_mem>>) src(%dma_wait3A_53 : memref<25x80xi32, #tpu.memory_space<hbm>>) dst(%arg5 : memref<25x80xi32, #tpu.memory_space<vmem>>)
        tpu.yield
      }) : () -> ()
      "tpu.region"() ({
        %run_scoped3A = tpu.sem_alloc : memref<!tpu.dma_semaphore, #tpu.memory_space<semaphore_mem>>
        %dma_start3A = arith.constant 0 : i32
        %dma_start3A_40 = arith.constant 0 : i32
        %dma_start3A_41 = tpu.memref_slice %arg3[%add3A, %scan3A_27, %dma_start3A, %dma_start3A_40] : memref<32x5x25x80xi32, #tpu.memory_space<hbm>> -> memref<1x1x25x80xi32, #tpu.memory_space<hbm>>
        %dma_start3A_42 = tpu.memref_squeeze %dma_start3A_41 : memref<1x1x25x80xi32, #tpu.memory_space<hbm>> -> memref<25x80xi32, #tpu.memory_space<hbm>>
        %dma_start3A_43 = arith.constant 0 : i32
        %dma_start3A_44 = arith.constant 0 : i32
        %dma_start3A_45 = tpu.memref_slice %arg3[%add3A, %scan3A_27, %dma_start3A_43, %dma_start3A_44] : memref<32x5x25x80xi32, #tpu.memory_space<hbm>> -> memref<1x1x25x80xi32, #tpu.memory_space<hbm>>
        %dma_start3A_46 = tpu.memref_squeeze %dma_start3A_45 : memref<1x1x25x80xi32, #tpu.memory_space<hbm>> -> memref<25x80xi32, #tpu.memory_space<hbm>>
        tpu.enqueue_dma source(%dma_start3A_46 : memref<25x80xi32, #tpu.memory_space<hbm>>) target(%arg6 : memref<25x80xi32, #tpu.memory_space<vmem>>) target_semaphore(%run_scoped3A : memref<!tpu.dma_semaphore, #tpu.memory_space<semaphore_mem>>)
        %dma_wait3A = arith.constant 0 : i32
        %dma_wait3A_47 = arith.constant 0 : i32
        %dma_wait3A_48 = tpu.memref_slice %arg3[%add3A, %scan3A_27, %dma_wait3A, %dma_wait3A_47] : memref<32x5x25x80xi32, #tpu.memory_space<hbm>> -> memref<1x1x25x80xi32, #tpu.memory_space<hbm>>
        %dma_wait3A_49 = tpu.memref_squeeze %dma_wait3A_48 : memref<1x1x25x80xi32, #tpu.memory_space<hbm>> -> memref<25x80xi32, #tpu.memory_space<hbm>>
        %dma_wait3A_50 = arith.constant 0 : i32
        %dma_wait3A_51 = arith.constant 0 : i32
        %dma_wait3A_52 = tpu.memref_slice %arg3[%add3A, %scan3A_27, %dma_wait3A_50, %dma_wait3A_51] : memref<32x5x25x80xi32, #tpu.memory_space<hbm>> -> memref<1x1x25x80xi32, #tpu.memory_space<hbm>>
        %dma_wait3A_53 = tpu.memref_squeeze %dma_wait3A_52 : memref<1x1x25x80xi32, #tpu.memory_space<hbm>> -> memref<25x80xi32, #tpu.memory_space<hbm>>
        tpu.wait_dma2 semaphore(%run_scoped3A : memref<!tpu.dma_semaphore, #tpu.memory_space<semaphore_mem>>) src(%dma_wait3A_53 : memref<25x80xi32, #tpu.memory_space<hbm>>) dst(%arg6 : memref<25x80xi32, #tpu.memory_space<vmem>>)
        tpu.yield
      }) : () -> ()
      %scan3A_28 = arith.constant 0 : i32
      %scan3A_29 = arith.constant 0 : i32
      %scan3A_30 = arith.constant 125 : i32
      %scan3A_31 = arith.addi %scan3A_29, %scan3A_30 : i32
      %scan3A_32 = arith.constant 1 : i32
      scf.for %scan3A_40 = %scan3A_29 to %scan3A_31 step %scan3A_32  : i32 {
        %jit3A = arith.constant 5 : i32
        %div3A = arith.divsi %scan3A_40, %jit3A : i32
        %sign3A = arith.constant 0 : i32
        %sign3A_41 = arith.cmpi sgt, %scan3A_40, %sign3A : i32
        %sign3A_42 = arith.extui %sign3A_41 : i1 to i32
        %sign3A_43 = arith.constant 0 : i32
        %sign3A_44 = arith.cmpi slt, %scan3A_40, %sign3A_43 : i32
        %sign3A_45 = arith.extui %sign3A_44 : i1 to i32
        %sign3A_46 = arith.subi %sign3A_42, %sign3A_45 : i32
        %sign3A_47 = arith.constant 0 : i32
        %sign3A_48 = arith.cmpi sgt, %jit3A, %sign3A_47 : i32
        %sign3A_49 = arith.extui %sign3A_48 : i1 to i32
        %sign3A_50 = arith.constant 0 : i32
        %sign3A_51 = arith.cmpi slt, %jit3A, %sign3A_50 : i32
        %sign3A_52 = arith.extui %sign3A_51 : i1 to i32
        %sign3A_53 = arith.subi %sign3A_49, %sign3A_52 : i32
        %ne3A = arith.cmpi ne, %sign3A_46, %sign3A_53 : i32
        %rem3A = arith.remsi %scan3A_40, %jit3A : i32
        %ne3A_54 = arith.constant 0 : i32
        %ne3A_55 = arith.cmpi ne, %rem3A, %ne3A_54 : i32
        %and3A = arith.andi %ne3A, %ne3A_55 : i1
        %sub3A = arith.constant 1 : i32
        %sub3A_56 = arith.subi %div3A, %sub3A : i32
        %select_n3A = arith.select %and3A, %sub3A_56, %div3A : i32
        %jit3A_57 = arith.constant 5 : i32
        %eq3A = arith.constant 0 : i32
        %eq3A_58 = arith.cmpi eq, %jit3A_57, %eq3A : i32
        %jit3A_59 = arith.constant 1 : i32
        %select_n3A_60 = arith.select %eq3A_58, %jit3A_59, %jit3A_57 : i32
        %rem3A_61 = arith.remsi %scan3A_40, %select_n3A_60 : i32
        %ne3A_62 = arith.constant 0 : i32
        %ne3A_63 = arith.cmpi ne, %rem3A_61, %ne3A_62 : i32
        %lt3A = arith.constant 0 : i32
        %lt3A_64 = arith.cmpi slt, %rem3A_61, %lt3A : i32
        %lt3A_65 = arith.constant 0 : i32
        %lt3A_66 = arith.cmpi slt, %select_n3A_60, %lt3A_65 : i32
        %ne3A_67 = arith.xori %lt3A_64, %lt3A_66 : i1
        %and3A_68 = arith.andi %ne3A_67, %ne3A_63 : i1
        %add3A_69 = arith.addi %rem3A_61, %select_n3A_60 : i32
        %select_n3A_70 = arith.select %and3A_68, %add3A_69, %rem3A_61 : i32
        %mul3A_71 = arith.constant 16 : i32
        %mul3A_72 = arith.muli %select_n3A_70, %mul3A_71 : i32
        %get3A = arith.index_cast %select_n3A : i32 to index
        %get3A_73 = arith.index_cast %mul3A_72 : i32 to index
        %get3A_74 = tpu.vector_load %arg5[%get3A, %get3A_73] {strides = array<i32>} : memref<25x80xi32, #tpu.memory_space<vmem>>, vector<1x16xi32>,
        %get3A_75 = vector.shape_cast %get3A_74 : vector<1x16xi32> to vector<16xi32>
        %mul3A_76 = arith.constant 16 : i32
        %mul3A_77 = arith.muli %select_n3A_70, %mul3A_76 : i32
        %get3A_78 = arith.index_cast %select_n3A : i32 to index
        %get3A_79 = arith.index_cast %mul3A_77 : i32 to index
        %get3A_80 = tpu.vector_load %arg6[%get3A_78, %get3A_79] {strides = array<i32>} : memref<25x80xi32, #tpu.memory_space<vmem>>, vector<1x16xi32>,
        %get3A_81 = vector.shape_cast %get3A_80 : vector<1x16xi32> to vector<16xi32>
        %eq3A_82 = arith.cmpi eq, %get3A_75, %get3A_81 : vector<16xi32>
        %jit3A_83 = arith.constant 10000 : i32
        %broadcast_in_dim3A = vector.broadcast %jit3A_83 : i32 to vector<16xi32>
        %select_n3A_84 = arith.select %eq3A_82, %broadcast_in_dim3A, %get3A_81 : vector<16xi1>, vector<16xi32>
        %mul3A_85 = arith.constant 16 : i32
        %mul3A_86 = arith.muli %select_n3A_70, %mul3A_85 : i32
        %swap3A = arith.index_cast %select_n3A : i32 to index
        %swap3A_87 = arith.index_cast %mul3A_86 : i32 to index
        %swap3A_88 = tpu.vector_load %arg6[%swap3A, %swap3A_87] {strides = array<i32>} : memref<25x80xi32, #tpu.memory_space<vmem>>, vector<1x16xi32>,
        %swap3A_89 = vector.shape_cast %swap3A_88 : vector<1x16xi32> to vector<16xi32>
        %swap3A_90 = vector.shape_cast %select_n3A_84 : vector<16xi32> to vector<1x16xi32>
        tpu.vector_store %arg6[%swap3A, %swap3A_87], %swap3A_90 {strides = array<i32>} : memref<25x80xi32, #tpu.memory_space<vmem>>, vector<1x16xi32>,
      }
      %scan3A_33 = arith.constant 125 : i32
      %scan3A_34 = arith.constant 0 : i32
      %scan3A_35 = arith.constant 0 : i32
      %scan3A_36 = arith.constant 25 : i32
      %scan3A_37 = arith.addi %scan3A_35, %scan3A_36 : i32
      %scan3A_38 = arith.constant 1 : i32
      scf.for %scan3A_40 = %scan3A_35 to %scan3A_37 step %scan3A_38  : i32 {
        "tpu.region"() ({
          %run_scoped3A = tpu.sem_alloc : memref<!tpu.dma_semaphore, #tpu.memory_space<semaphore_mem>>
          %dma_start3A = arith.constant 0 : i32
          %dma_start3A_41 = tpu.memref_slice %arg6[%scan3A_40, %dma_start3A] : memref<25x80xi32, #tpu.memory_space<vmem>> -> memref<1x80xi32, #tpu.memory_space<vmem>>
          %dma_start3A_42 = tpu.memref_squeeze %dma_start3A_41 : memref<1x80xi32, #tpu.memory_space<vmem>> -> memref<80xi32, #tpu.memory_space<vmem>>
          %dma_start3A_43 = arith.constant 0 : i32
          %dma_start3A_44 = arith.constant 0 : i32
          %dma_start3A_45 = tpu.memref_slice %arg9[%dma_start3A_43, %dma_start3A_44] : memref<10240x32xf32, #tpu.memory_space<vmem_shared>> -> memref<10240x32xf32, #tpu.memory_space<vmem_shared>>
          tpu.enqueue_indirect_dma source(%arg7 : memref<80x32xf32, #tpu.memory_space<vmem>>) target(%dma_start3A_45 : memref<10240x32xf32, #tpu.memory_space<vmem_shared>>) offsets(%dma_start3A_42 : memref<80xi32, #tpu.memory_space<vmem>>) semaphore(%run_scoped3A : memref<!tpu.dma_semaphore, #tpu.memory_space<semaphore_mem>>) {add = true}
          %dma_wait3A = arith.constant 0 : i32
          %dma_wait3A_46 = tpu.memref_slice %arg6[%scan3A_40, %dma_wait3A] : memref<25x80xi32, #tpu.memory_space<vmem>> -> memref<1x80xi32, #tpu.memory_space<vmem>>
          %dma_wait3A_47 = tpu.memref_squeeze %dma_wait3A_46 : memref<1x80xi32, #tpu.memory_space<vmem>> -> memref<80xi32, #tpu.memory_space<vmem>>
          %dma_wait3A_48 = arith.constant 0 : i32
          %dma_wait3A_49 = arith.constant 0 : i32
          %dma_wait3A_50 = tpu.memref_slice %arg9[%dma_wait3A_48, %dma_wait3A_49] : memref<10240x32xf32, #tpu.memory_space<vmem_shared>> -> memref<10240x32xf32, #tpu.memory_space<vmem_shared>>
          tpu.wait_indirect_dma semaphore(%run_scoped3A : memref<!tpu.dma_semaphore, #tpu.memory_space<semaphore_mem>>) src(%arg7 : memref<80x32xf32, #tpu.memory_space<vmem>>) dst(%dma_wait3A_50 : memref<10240x32xf32, #tpu.memory_space<vmem_shared>>)
          tpu.yield
        }) : () -> ()
      }
      %scan3A_39 = arith.constant 25 : i32
    }
    %scan3A_19 = arith.constant 5 : i32
    %barrier3A_20 = arith.constant 0 : index
    tpu.barrier barrier_id(%barrier3A_20)
    %scan3A_21 = arith.constant 0 : i32
    %scan3A_22 = arith.constant 0 : i32
    %scan3A_23 = arith.constant 8 : i32
    %scan3A_24 = arith.addi %scan3A_22, %scan3A_23 : i32
    %scan3A_25 = arith.constant 1 : i32
    scf.for %scan3A_27 = %scan3A_22 to %scan3A_24 step %scan3A_25  : i32 {
      %mul3A_28 = arith.constant 80 : i32
      %mul3A_29 = arith.muli %scan3A_27, %mul3A_28 : i32
      %add3A_30 = arith.addi %mul3A_2, %mul3A_29 : i32
      "tpu.region"() ({
        %run_scoped3A = tpu.sem_alloc : memref<!tpu.dma_semaphore, #tpu.memory_space<semaphore_mem>>
        %dma_start3A = arith.constant 0 : i32
        %dma_start3A_34 = tpu.memref_slice %arg9[%add3A_30, %dma_start3A] : memref<10240x32xf32, #tpu.memory_space<vmem_shared>> -> memref<80x32xf32, #tpu.memory_space<vmem_shared>>
        %dma_start3A_35 = arith.constant 0 : i32
        %dma_start3A_36 = tpu.memref_slice %arg9[%add3A_30, %dma_start3A_35] : memref<10240x32xf32, #tpu.memory_space<vmem_shared>> -> memref<80x32xf32, #tpu.memory_space<vmem_shared>>
        tpu.enqueue_dma source(%dma_start3A_36 : memref<80x32xf32, #tpu.memory_space<vmem_shared>>) target(%arg8 : memref<80x32xf32, #tpu.memory_space<vmem>>) target_semaphore(%run_scoped3A : memref<!tpu.dma_semaphore, #tpu.memory_space<semaphore_mem>>)
        %dma_wait3A = arith.constant 0 : i32
        %dma_wait3A_37 = tpu.memref_slice %arg9[%add3A_30, %dma_wait3A] : memref<10240x32xf32, #tpu.memory_space<vmem_shared>> -> memref<80x32xf32, #tpu.memory_space<vmem_shared>>
        %dma_wait3A_38 = arith.constant 0 : i32
        %dma_wait3A_39 = tpu.memref_slice %arg9[%add3A_30, %dma_wait3A_38] : memref<10240x32xf32, #tpu.memory_space<vmem_shared>> -> memref<80x32xf32, #tpu.memory_space<vmem_shared>>
        tpu.wait_dma2 semaphore(%run_scoped3A : memref<!tpu.dma_semaphore, #tpu.memory_space<semaphore_mem>>) src(%dma_wait3A_39 : memref<80x32xf32, #tpu.memory_space<vmem_shared>>) dst(%arg8 : memref<80x32xf32, #tpu.memory_space<vmem>>)
        tpu.yield
      }) : () -> ()
      %mul3A_31 = arith.constant 80 : i32
      %mul3A_32 = arith.muli %scan3A_27, %mul3A_31 : i32
      %add3A_33 = arith.addi %mul3A_2, %mul3A_32 : i32
      "tpu.region"() ({
        %run_scoped3A = tpu.sem_alloc : memref<!tpu.dma_semaphore, #tpu.memory_space<semaphore_mem>>
        %dma_start3A = arith.constant 0 : i32
        %dma_start3A_34 = tpu.memref_slice %arg4[%arg0, %add3A_33, %dma_start3A] : memref<2x10240x32xf32, #tpu.memory_space<hbm>> -> memref<1x80x32xf32, #tpu.memory_space<hbm>>
        %dma_start3A_35 = tpu.memref_squeeze %dma_start3A_34 : memref<1x80x32xf32, #tpu.memory_space<hbm>> -> memref<80x32xf32, #tpu.memory_space<hbm>>
        %dma_start3A_36 = arith.constant 0 : i32
        %dma_start3A_37 = tpu.memref_slice %arg4[%arg0, %add3A_33, %dma_start3A_36] : memref<2x10240x32xf32, #tpu.memory_space<hbm>> -> memref<1x80x32xf32, #tpu.memory_space<hbm>>
        %dma_start3A_38 = tpu.memref_squeeze %dma_start3A_37 : memref<1x80x32xf32, #tpu.memory_space<hbm>> -> memref<80x32xf32, #tpu.memory_space<hbm>>
        tpu.enqueue_dma source(%arg8 : memref<80x32xf32, #tpu.memory_space<vmem>>) target(%dma_start3A_38 : memref<80x32xf32, #tpu.memory_space<hbm>>) target_semaphore(%run_scoped3A : memref<!tpu.dma_semaphore, #tpu.memory_space<semaphore_mem>>)
        %dma_wait3A = arith.constant 0 : i32
        %dma_wait3A_39 = tpu.memref_slice %arg4[%arg0, %add3A_33, %dma_wait3A] : memref<2x10240x32xf32, #tpu.memory_space<hbm>> -> memref<1x80x32xf32, #tpu.memory_space<hbm>>
        %dma_wait3A_40 = tpu.memref_squeeze %dma_wait3A_39 : memref<1x80x32xf32, #tpu.memory_space<hbm>> -> memref<80x32xf32, #tpu.memory_space<hbm>>
        %dma_wait3A_41 = arith.constant 0 : i32
        %dma_wait3A_42 = tpu.memref_slice %arg4[%arg0, %add3A_33, %dma_wait3A_41] : memref<2x10240x32xf32, #tpu.memory_space<hbm>> -> memref<1x80x32xf32, #tpu.memory_space<hbm>>
        %dma_wait3A_43 = tpu.memref_squeeze %dma_wait3A_42 : memref<1x80x32xf32, #tpu.memory_space<hbm>> -> memref<80x32xf32, #tpu.memory_space<hbm>>
        tpu.wait_dma2 semaphore(%run_scoped3A : memref<!tpu.dma_semaphore, #tpu.memory_space<semaphore_mem>>) src(%arg8 : memref<80x32xf32, #tpu.memory_space<vmem>>) dst(%dma_wait3A_43 : memref<80x32xf32, #tpu.memory_space<hbm>>)
        tpu.yield
      }) : () -> ()
    }
    %scan3A_26 = arith.constant 8 : i32
    return
  }
}

#map = affine_map<(d0, d1) -> (0, 0, 0, 0)>
#map1 = affine_map<(d0, d1) -> (0, 0)>
#map2 = affine_map<(d0, d1) -> (0, 0, 0)>
module attributes {stable_mosaic.version = 14 : i64} {
  func.func @_scatter_sc_body(%arg0: i32, %arg1: i32, %arg2: memref<16x5x50x80xi32, #tpu.memory_space<hbm>>, %arg3: memref<16x5x50x80xi32, #tpu.memory_space<hbm>>, %arg4: memref<160000x128xf32, #tpu.memory_space<hbm>>, %arg5: memref<16x10240x128xf32, #tpu.memory_space<hbm>>, %arg6: memref<50x80xi32, #tpu.memory_space<vmem>>, %arg7: memref<50x80xi32, #tpu.memory_space<vmem>>, %arg8: memref<80xi32, #tpu.memory_space<vmem>>, %arg9: memref<80xi32, #tpu.memory_space<vmem>>, %arg10: memref<80x128xf32, #tpu.memory_space<vmem>>, %arg11: memref<80x128xf32, #tpu.memory_space<vmem>>, %arg12: memref<10240x128xf32, #tpu.memory_space<vmem_shared>>, %arg13: memref<!tpu.dma_semaphore, #tpu.memory_space<semaphore_mem>>, %arg14: memref<!tpu.dma_semaphore, #tpu.memory_space<semaphore_mem>>) attributes {dimension_semantics = [#tpu.dimension_semantics<core_parallel>, #tpu.dimension_semantics<subcore_parallel>], iteration_bounds = array<i64: 2, 16>, scalar_prefetch = 0 : i64, scratch_operands = 9 : i64, tpu.core_type = #tpu.core_type<sc_vector_subcore>, window_params = [{transform_indices = #map}, {transform_indices = #map}, {transform_indices = #map1}, {transform_indices = #map2}]} {
    %mul3A = arith.constant 640 : i32
    %mul3A_0 = arith.muli %arg1, %mul3A : i32
    %scan3A = arith.constant 0 : i32
    %scan3A_1 = arith.constant 0 : i32
    %scan3A_2 = arith.constant 8 : i32
    %scan3A_3 = arith.addi %scan3A_1, %scan3A_2 : i32
    %scan3A_4 = arith.constant 1 : i32
    scf.for %scan3A_6 = %scan3A_1 to %scan3A_3 step %scan3A_4  : i32 {
      %mul3A_7 = arith.constant 8 : i32
      %mul3A_8 = arith.muli %arg0, %mul3A_7 : i32
      %add3A = arith.addi %mul3A_8, %scan3A_6 : i32
      %mul3A_9 = arith.constant 10000 : i32
      %mul3A_10 = arith.muli %add3A, %mul3A_9 : i32
      %scan3A_11 = arith.constant 0 : i32
      %scan3A_12 = arith.constant 0 : i32
      %scan3A_13 = arith.constant 640 : i32
      %scan3A_14 = arith.addi %scan3A_12, %scan3A_13 : i32
      %scan3A_15 = arith.constant 1 : i32
      scf.for %scan3A_36 = %scan3A_12 to %scan3A_14 step %scan3A_15  : i32 {
        %jit3A = arith.constant 8 : i32
        %div3A = arith.divsi %scan3A_36, %jit3A : i32
        %sign3A = arith.constant 0 : i32
        %sign3A_37 = arith.cmpi sgt, %scan3A_36, %sign3A : i32
        %sign3A_38 = arith.extui %sign3A_37 : i1 to i32
        %sign3A_39 = arith.constant 0 : i32
        %sign3A_40 = arith.cmpi slt, %scan3A_36, %sign3A_39 : i32
        %sign3A_41 = arith.extui %sign3A_40 : i1 to i32
        %sign3A_42 = arith.subi %sign3A_38, %sign3A_41 : i32
        %sign3A_43 = arith.constant 0 : i32
        %sign3A_44 = arith.cmpi sgt, %jit3A, %sign3A_43 : i32
        %sign3A_45 = arith.extui %sign3A_44 : i1 to i32
        %sign3A_46 = arith.constant 0 : i32
        %sign3A_47 = arith.cmpi slt, %jit3A, %sign3A_46 : i32
        %sign3A_48 = arith.extui %sign3A_47 : i1 to i32
        %sign3A_49 = arith.subi %sign3A_45, %sign3A_48 : i32
        %ne3A = arith.cmpi ne, %sign3A_42, %sign3A_49 : i32
        %rem3A = arith.remsi %scan3A_36, %jit3A : i32
        %ne3A_50 = arith.constant 0 : i32
        %ne3A_51 = arith.cmpi ne, %rem3A, %ne3A_50 : i32
        %and3A = arith.andi %ne3A, %ne3A_51 : i1
        %sub3A = arith.constant 1 : i32
        %sub3A_52 = arith.subi %div3A, %sub3A : i32
        %select_n3A = arith.select %and3A, %sub3A_52, %div3A : i32
        %jit3A_53 = arith.constant 8 : i32
        %eq3A = arith.constant 0 : i32
        %eq3A_54 = arith.cmpi eq, %jit3A_53, %eq3A : i32
        %jit3A_55 = arith.constant 1 : i32
        %select_n3A_56 = arith.select %eq3A_54, %jit3A_55, %jit3A_53 : i32
        %rem3A_57 = arith.remsi %scan3A_36, %select_n3A_56 : i32
        %ne3A_58 = arith.constant 0 : i32
        %ne3A_59 = arith.cmpi ne, %rem3A_57, %ne3A_58 : i32
        %lt3A = arith.constant 0 : i32
        %lt3A_60 = arith.cmpi slt, %rem3A_57, %lt3A : i32
        %lt3A_61 = arith.constant 0 : i32
        %lt3A_62 = arith.cmpi slt, %select_n3A_56, %lt3A_61 : i32
        %ne3A_63 = arith.xori %lt3A_60, %lt3A_62 : i1
        %and3A_64 = arith.andi %ne3A_63, %ne3A_59 : i1
        %add3A_65 = arith.addi %rem3A_57, %select_n3A_56 : i32
        %select_n3A_66 = arith.select %and3A_64, %add3A_65, %rem3A_57 : i32
        %broadcast_in_dim3A = arith.constant 0.000000e+00 : f32
        %broadcast_in_dim3A_67 = vector.broadcast %broadcast_in_dim3A : f32 to vector<16xf32>
        %mul3A_68 = arith.constant 16 : i32
        %mul3A_69 = arith.muli %select_n3A_66, %mul3A_68 : i32
        %swap3A = arith.index_cast %select_n3A : i32 to index
        %swap3A_70 = arith.index_cast %mul3A_69 : i32 to index
        %swap3A_71 = tpu.vector_load %arg10[%swap3A, %swap3A_70] {strides = array<i32>} : memref<80x128xf32, #tpu.memory_space<vmem>>, vector<1x16xf32>,
        %swap3A_72 = vector.shape_cast %swap3A_71 : vector<1x16xf32> to vector<16xf32>
        %swap3A_73 = vector.shape_cast %broadcast_in_dim3A_67 : vector<16xf32> to vector<1x16xf32>
        tpu.vector_store %arg10[%swap3A, %swap3A_70], %swap3A_73 {strides = array<i32>} : memref<80x128xf32, #tpu.memory_space<vmem>>, vector<1x16xf32>,
      }
      %scan3A_16 = arith.constant 640 : i32
      %scan3A_17 = arith.constant 0 : i32
      %scan3A_18 = arith.constant 0 : i32
      %scan3A_19 = arith.constant 8 : i32
      %scan3A_20 = arith.addi %scan3A_18, %scan3A_19 : i32
      %scan3A_21 = arith.constant 1 : i32
      scf.for %scan3A_36 = %scan3A_18 to %scan3A_20 step %scan3A_21  : i32 {
        %mul3A_37 = arith.constant 80 : i32
        %mul3A_38 = arith.muli %scan3A_36, %mul3A_37 : i32
        %add3A_39 = arith.addi %mul3A_0, %mul3A_38 : i32
        "tpu.region"() ({
          %run_scoped3A = tpu.sem_alloc : memref<!tpu.dma_semaphore, #tpu.memory_space<semaphore_mem>>
          %dma_start3A = arith.constant 0 : i32
          %dma_start3A_40 = tpu.memref_slice %arg12[%add3A_39, %dma_start3A] : memref<10240x128xf32, #tpu.memory_space<vmem_shared>> -> memref<80x128xf32, #tpu.memory_space<vmem_shared>>
          %dma_start3A_41 = arith.constant 0 : i32
          %dma_start3A_42 = tpu.memref_slice %arg12[%add3A_39, %dma_start3A_41] : memref<10240x128xf32, #tpu.memory_space<vmem_shared>> -> memref<80x128xf32, #tpu.memory_space<vmem_shared>>
          tpu.enqueue_dma source(%arg10 : memref<80x128xf32, #tpu.memory_space<vmem>>) target(%dma_start3A_42 : memref<80x128xf32, #tpu.memory_space<vmem_shared>>) target_semaphore(%run_scoped3A : memref<!tpu.dma_semaphore, #tpu.memory_space<semaphore_mem>>)
          %dma_wait3A = arith.constant 0 : i32
          %dma_wait3A_43 = tpu.memref_slice %arg12[%add3A_39, %dma_wait3A] : memref<10240x128xf32, #tpu.memory_space<vmem_shared>> -> memref<80x128xf32, #tpu.memory_space<vmem_shared>>
          %dma_wait3A_44 = arith.constant 0 : i32
          %dma_wait3A_45 = tpu.memref_slice %arg12[%add3A_39, %dma_wait3A_44] : memref<10240x128xf32, #tpu.memory_space<vmem_shared>> -> memref<80x128xf32, #tpu.memory_space<vmem_shared>>
          tpu.wait_dma2 semaphore(%run_scoped3A : memref<!tpu.dma_semaphore, #tpu.memory_space<semaphore_mem>>) src(%arg10 : memref<80x128xf32, #tpu.memory_space<vmem>>) dst(%dma_wait3A_45 : memref<80x128xf32, #tpu.memory_space<vmem_shared>>)
          tpu.yield
        }) : () -> ()
      }
      %scan3A_22 = arith.constant 8 : i32
      %barrier3A = arith.constant 0 : index
      tpu.barrier barrier_id(%barrier3A)
      %scan3A_23 = arith.constant 0 : i32
      %scan3A_24 = arith.constant 0 : i32
      %scan3A_25 = arith.constant 5 : i32
      %scan3A_26 = arith.addi %scan3A_24, %scan3A_25 : i32
      %scan3A_27 = arith.constant 1 : i32
      scf.for %scan3A_36 = %scan3A_24 to %scan3A_26 step %scan3A_27  : i32 {
        "tpu.region"() ({
          %run_scoped3A_72 = tpu.sem_alloc : memref<!tpu.dma_semaphore, #tpu.memory_space<semaphore_mem>>
          %dma_start3A_73 = arith.constant 0 : i32
          %dma_start3A_74 = arith.constant 0 : i32
          %dma_start3A_75 = tpu.memref_slice %arg2[%arg1, %scan3A_36, %dma_start3A_73, %dma_start3A_74] : memref<16x5x50x80xi32, #tpu.memory_space<hbm>> -> memref<1x1x50x80xi32, #tpu.memory_space<hbm>>
          %dma_start3A_76 = tpu.memref_squeeze %dma_start3A_75 : memref<1x1x50x80xi32, #tpu.memory_space<hbm>> -> memref<50x80xi32, #tpu.memory_space<hbm>>
          %dma_start3A_77 = arith.constant 0 : i32
          %dma_start3A_78 = arith.constant 0 : i32
          %dma_start3A_79 = tpu.memref_slice %arg2[%arg1, %scan3A_36, %dma_start3A_77, %dma_start3A_78] : memref<16x5x50x80xi32, #tpu.memory_space<hbm>> -> memref<1x1x50x80xi32, #tpu.memory_space<hbm>>
          %dma_start3A_80 = tpu.memref_squeeze %dma_start3A_79 : memref<1x1x50x80xi32, #tpu.memory_space<hbm>> -> memref<50x80xi32, #tpu.memory_space<hbm>>
          tpu.enqueue_dma source(%dma_start3A_80 : memref<50x80xi32, #tpu.memory_space<hbm>>) target(%arg6 : memref<50x80xi32, #tpu.memory_space<vmem>>) target_semaphore(%run_scoped3A_72 : memref<!tpu.dma_semaphore, #tpu.memory_space<semaphore_mem>>)
          %dma_wait3A_81 = arith.constant 0 : i32
          %dma_wait3A_82 = arith.constant 0 : i32
          %dma_wait3A_83 = tpu.memref_slice %arg2[%arg1, %scan3A_36, %dma_wait3A_81, %dma_wait3A_82] : memref<16x5x50x80xi32, #tpu.memory_space<hbm>> -> memref<1x1x50x80xi32, #tpu.memory_space<hbm>>
          %dma_wait3A_84 = tpu.memref_squeeze %dma_wait3A_83 : memref<1x1x50x80xi32, #tpu.memory_space<hbm>> -> memref<50x80xi32, #tpu.memory_space<hbm>>
          %dma_wait3A_85 = arith.constant 0 : i32
          %dma_wait3A_86 = arith.constant 0 : i32
          %dma_wait3A_87 = tpu.memref_slice %arg2[%arg1, %scan3A_36, %dma_wait3A_85, %dma_wait3A_86] : memref<16x5x50x80xi32, #tpu.memory_space<hbm>> -> memref<1x1x50x80xi32, #tpu.memory_space<hbm>>
          %dma_wait3A_88 = tpu.memref_squeeze %dma_wait3A_87 : memref<1x1x50x80xi32, #tpu.memory_space<hbm>> -> memref<50x80xi32, #tpu.memory_space<hbm>>
          tpu.wait_dma2 semaphore(%run_scoped3A_72 : memref<!tpu.dma_semaphore, #tpu.memory_space<semaphore_mem>>) src(%dma_wait3A_88 : memref<50x80xi32, #tpu.memory_space<hbm>>) dst(%arg6 : memref<50x80xi32, #tpu.memory_space<vmem>>)
          tpu.yield
        }) : () -> ()
        "tpu.region"() ({
          %run_scoped3A_72 = tpu.sem_alloc : memref<!tpu.dma_semaphore, #tpu.memory_space<semaphore_mem>>
          %dma_start3A_73 = arith.constant 0 : i32
          %dma_start3A_74 = arith.constant 0 : i32
          %dma_start3A_75 = tpu.memref_slice %arg3[%arg1, %scan3A_36, %dma_start3A_73, %dma_start3A_74] : memref<16x5x50x80xi32, #tpu.memory_space<hbm>> -> memref<1x1x50x80xi32, #tpu.memory_space<hbm>>
          %dma_start3A_76 = tpu.memref_squeeze %dma_start3A_75 : memref<1x1x50x80xi32, #tpu.memory_space<hbm>> -> memref<50x80xi32, #tpu.memory_space<hbm>>
          %dma_start3A_77 = arith.constant 0 : i32
          %dma_start3A_78 = arith.constant 0 : i32
          %dma_start3A_79 = tpu.memref_slice %arg3[%arg1, %scan3A_36, %dma_start3A_77, %dma_start3A_78] : memref<16x5x50x80xi32, #tpu.memory_space<hbm>> -> memref<1x1x50x80xi32, #tpu.memory_space<hbm>>
          %dma_start3A_80 = tpu.memref_squeeze %dma_start3A_79 : memref<1x1x50x80xi32, #tpu.memory_space<hbm>> -> memref<50x80xi32, #tpu.memory_space<hbm>>
          tpu.enqueue_dma source(%dma_start3A_80 : memref<50x80xi32, #tpu.memory_space<hbm>>) target(%arg7 : memref<50x80xi32, #tpu.memory_space<vmem>>) target_semaphore(%run_scoped3A_72 : memref<!tpu.dma_semaphore, #tpu.memory_space<semaphore_mem>>)
          %dma_wait3A_81 = arith.constant 0 : i32
          %dma_wait3A_82 = arith.constant 0 : i32
          %dma_wait3A_83 = tpu.memref_slice %arg3[%arg1, %scan3A_36, %dma_wait3A_81, %dma_wait3A_82] : memref<16x5x50x80xi32, #tpu.memory_space<hbm>> -> memref<1x1x50x80xi32, #tpu.memory_space<hbm>>
          %dma_wait3A_84 = tpu.memref_squeeze %dma_wait3A_83 : memref<1x1x50x80xi32, #tpu.memory_space<hbm>> -> memref<50x80xi32, #tpu.memory_space<hbm>>
          %dma_wait3A_85 = arith.constant 0 : i32
          %dma_wait3A_86 = arith.constant 0 : i32
          %dma_wait3A_87 = tpu.memref_slice %arg3[%arg1, %scan3A_36, %dma_wait3A_85, %dma_wait3A_86] : memref<16x5x50x80xi32, #tpu.memory_space<hbm>> -> memref<1x1x50x80xi32, #tpu.memory_space<hbm>>
          %dma_wait3A_88 = tpu.memref_squeeze %dma_wait3A_87 : memref<1x1x50x80xi32, #tpu.memory_space<hbm>> -> memref<50x80xi32, #tpu.memory_space<hbm>>
          tpu.wait_dma2 semaphore(%run_scoped3A_72 : memref<!tpu.dma_semaphore, #tpu.memory_space<semaphore_mem>>) src(%dma_wait3A_88 : memref<50x80xi32, #tpu.memory_space<hbm>>) dst(%arg7 : memref<50x80xi32, #tpu.memory_space<vmem>>)
          tpu.yield
        }) : () -> ()
        %scan3A_37 = arith.constant 0 : i32
        %scan3A_38 = arith.constant 0 : i32
        %scan3A_39 = arith.constant 250 : i32
        %scan3A_40 = arith.addi %scan3A_38, %scan3A_39 : i32
        %scan3A_41 = arith.constant 1 : i32
        scf.for %scan3A_72 = %scan3A_38 to %scan3A_40 step %scan3A_41  : i32 {
          %jit3A = arith.constant 5 : i32
          %div3A = arith.divsi %scan3A_72, %jit3A : i32
          %sign3A = arith.constant 0 : i32
          %sign3A_73 = arith.cmpi sgt, %scan3A_72, %sign3A : i32
          %sign3A_74 = arith.extui %sign3A_73 : i1 to i32
          %sign3A_75 = arith.constant 0 : i32
          %sign3A_76 = arith.cmpi slt, %scan3A_72, %sign3A_75 : i32
          %sign3A_77 = arith.extui %sign3A_76 : i1 to i32
          %sign3A_78 = arith.subi %sign3A_74, %sign3A_77 : i32
          %sign3A_79 = arith.constant 0 : i32
          %sign3A_80 = arith.cmpi sgt, %jit3A, %sign3A_79 : i32
          %sign3A_81 = arith.extui %sign3A_80 : i1 to i32
          %sign3A_82 = arith.constant 0 : i32
          %sign3A_83 = arith.cmpi slt, %jit3A, %sign3A_82 : i32
          %sign3A_84 = arith.extui %sign3A_83 : i1 to i32
          %sign3A_85 = arith.subi %sign3A_81, %sign3A_84 : i32
          %ne3A = arith.cmpi ne, %sign3A_78, %sign3A_85 : i32
          %rem3A = arith.remsi %scan3A_72, %jit3A : i32
          %ne3A_86 = arith.constant 0 : i32
          %ne3A_87 = arith.cmpi ne, %rem3A, %ne3A_86 : i32
          %and3A = arith.andi %ne3A, %ne3A_87 : i1
          %sub3A = arith.constant 1 : i32
          %sub3A_88 = arith.subi %div3A, %sub3A : i32
          %select_n3A = arith.select %and3A, %sub3A_88, %div3A : i32
          %jit3A_89 = arith.constant 5 : i32
          %eq3A = arith.constant 0 : i32
          %eq3A_90 = arith.cmpi eq, %jit3A_89, %eq3A : i32
          %jit3A_91 = arith.constant 1 : i32
          %select_n3A_92 = arith.select %eq3A_90, %jit3A_91, %jit3A_89 : i32
          %rem3A_93 = arith.remsi %scan3A_72, %select_n3A_92 : i32
          %ne3A_94 = arith.constant 0 : i32
          %ne3A_95 = arith.cmpi ne, %rem3A_93, %ne3A_94 : i32
          %lt3A = arith.constant 0 : i32
          %lt3A_96 = arith.cmpi slt, %rem3A_93, %lt3A : i32
          %lt3A_97 = arith.constant 0 : i32
          %lt3A_98 = arith.cmpi slt, %select_n3A_92, %lt3A_97 : i32
          %ne3A_99 = arith.xori %lt3A_96, %lt3A_98 : i1
          %and3A_100 = arith.andi %ne3A_99, %ne3A_95 : i1
          %add3A_101 = arith.addi %rem3A_93, %select_n3A_92 : i32
          %select_n3A_102 = arith.select %and3A_100, %add3A_101, %rem3A_93 : i32
          %mul3A_103 = arith.constant 16 : i32
          %mul3A_104 = arith.muli %select_n3A_102, %mul3A_103 : i32
          %get3A = arith.index_cast %select_n3A : i32 to index
          %get3A_105 = arith.index_cast %mul3A_104 : i32 to index
          %get3A_106 = tpu.vector_load %arg6[%get3A, %get3A_105] {strides = array<i32>} : memref<50x80xi32, #tpu.memory_space<vmem>>, vector<1x16xi32>,
          %get3A_107 = vector.shape_cast %get3A_106 : vector<1x16xi32> to vector<16xi32>
          %mul3A_108 = arith.constant 16 : i32
          %mul3A_109 = arith.muli %select_n3A_102, %mul3A_108 : i32
          %get3A_110 = arith.index_cast %select_n3A : i32 to index
          %get3A_111 = arith.index_cast %mul3A_109 : i32 to index
          %get3A_112 = tpu.vector_load %arg7[%get3A_110, %get3A_111] {strides = array<i32>} : memref<50x80xi32, #tpu.memory_space<vmem>>, vector<1x16xi32>,
          %get3A_113 = vector.shape_cast %get3A_112 : vector<1x16xi32> to vector<16xi32>
          %eq3A_114 = arith.cmpi eq, %get3A_107, %get3A_113 : vector<16xi32>
          %jit3A_115 = arith.constant 10000 : i32
          %broadcast_in_dim3A = vector.broadcast %jit3A_115 : i32 to vector<16xi32>
          %select_n3A_116 = arith.select %eq3A_114, %broadcast_in_dim3A, %get3A_113 : vector<16xi1>, vector<16xi32>
          %mul3A_117 = arith.constant 16 : i32
          %mul3A_118 = arith.muli %select_n3A_102, %mul3A_117 : i32
          %swap3A = arith.index_cast %select_n3A : i32 to index
          %swap3A_119 = arith.index_cast %mul3A_118 : i32 to index
          %swap3A_120 = tpu.vector_load %arg7[%swap3A, %swap3A_119] {strides = array<i32>} : memref<50x80xi32, #tpu.memory_space<vmem>>, vector<1x16xi32>,
          %swap3A_121 = vector.shape_cast %swap3A_120 : vector<1x16xi32> to vector<16xi32>
          %swap3A_122 = vector.shape_cast %select_n3A_116 : vector<16xi32> to vector<1x16xi32>
          tpu.vector_store %arg7[%swap3A, %swap3A_119], %swap3A_122 {strides = array<i32>} : memref<50x80xi32, #tpu.memory_space<vmem>>, vector<1x16xi32>,
        }
        %scan3A_42 = arith.constant 250 : i32
        %scan3A_43 = arith.constant 0 : i32
        %scan3A_44 = arith.constant 0 : i32
        %scan3A_45 = arith.constant 5 : i32
        %scan3A_46 = arith.addi %scan3A_44, %scan3A_45 : i32
        %scan3A_47 = arith.constant 1 : i32
        scf.for %scan3A_72 = %scan3A_44 to %scan3A_46 step %scan3A_47  : i32 {
          %mul3A_73 = arith.constant 16 : i32
          %mul3A_74 = arith.muli %scan3A_72, %mul3A_73 : i32
          %get3A = arith.constant 0 : i32
          %get3A_75 = arith.index_cast %get3A : i32 to index
          %get3A_76 = arith.index_cast %mul3A_74 : i32 to index
          %get3A_77 = tpu.vector_load %arg6[%get3A_75, %get3A_76] {strides = array<i32>} : memref<50x80xi32, #tpu.memory_space<vmem>>, vector<1x16xi32>,
          %get3A_78 = vector.shape_cast %get3A_77 : vector<1x16xi32> to vector<16xi32>
          %add3A_79 = vector.broadcast %mul3A_10 : i32 to vector<16xi32>
          %add3A_80 = arith.addi %get3A_78, %add3A_79 : vector<16xi32>
          %mul3A_81 = arith.constant 16 : i32
          %mul3A_82 = arith.muli %scan3A_72, %mul3A_81 : i32
          %swap3A = arith.index_cast %mul3A_82 : i32 to index
          %swap3A_83 = tpu.vector_load %arg8[%swap3A] {strides = array<i32>} : memref<80xi32, #tpu.memory_space<vmem>>, vector<16xi32>,
          %swap3A_84 = vector.shape_cast %swap3A_83 : vector<16xi32> to vector<16xi32>
          %swap3A_85 = vector.shape_cast %add3A_80 : vector<16xi32> to vector<16xi32>
          tpu.vector_store %arg8[%swap3A], %swap3A_85 {strides = array<i32>} : memref<80xi32, #tpu.memory_space<vmem>>, vector<16xi32>,
        }
        %scan3A_48 = arith.constant 5 : i32
        %dma_start3A = arith.constant 0 : i32
        %dma_start3A_49 = arith.constant 0 : i32
        %dma_start3A_50 = tpu.memref_slice %arg4[%dma_start3A, %dma_start3A_49] : memref<160000x128xf32, #tpu.memory_space<hbm>> -> memref<160000x128xf32, #tpu.memory_space<hbm>>
        tpu.enqueue_indirect_dma source(%dma_start3A_50 : memref<160000x128xf32, #tpu.memory_space<hbm>>) target(%arg10 : memref<80x128xf32, #tpu.memory_space<vmem>>) offsets(%arg8 : memref<80xi32, #tpu.memory_space<vmem>>) semaphore(%arg13 : memref<!tpu.dma_semaphore, #tpu.memory_space<semaphore_mem>>)
        %scan3A_51 = arith.constant 0 : i32
        %scan3A_52 = arith.constant 0 : i32
        %scan3A_53 = arith.constant 24 : i32
        %scan3A_54 = arith.addi %scan3A_52, %scan3A_53 : i32
        %scan3A_55 = arith.constant 1 : i32
        scf.for %scan3A_72 = %scan3A_52 to %scan3A_54 step %scan3A_55  : i32 {
          %mul3A_73 = arith.constant 2 : i32
          %mul3A_74 = arith.muli %mul3A_73, %scan3A_72 : i32
          %add3A_75 = arith.constant 1 : i32
          %add3A_76 = arith.addi %mul3A_74, %add3A_75 : i32
          %scan3A_77 = arith.constant 0 : i32
          %scan3A_78 = arith.constant 0 : i32
          %scan3A_79 = arith.constant 5 : i32
          %scan3A_80 = arith.addi %scan3A_78, %scan3A_79 : i32
          %scan3A_81 = arith.constant 1 : i32
          scf.for %scan3A_105 = %scan3A_78 to %scan3A_80 step %scan3A_81  : i32 {
            %mul3A_106 = arith.constant 16 : i32
            %mul3A_107 = arith.muli %scan3A_105, %mul3A_106 : i32
            %get3A = arith.index_cast %add3A_76 : i32 to index
            %get3A_108 = arith.index_cast %mul3A_107 : i32 to index
            %get3A_109 = tpu.vector_load %arg6[%get3A, %get3A_108] {strides = array<i32>} : memref<50x80xi32, #tpu.memory_space<vmem>>, vector<1x16xi32>,
            %get3A_110 = vector.shape_cast %get3A_109 : vector<1x16xi32> to vector<16xi32>
            %add3A_111 = vector.broadcast %mul3A_10 : i32 to vector<16xi32>
            %add3A_112 = arith.addi %get3A_110, %add3A_111 : vector<16xi32>
            %mul3A_113 = arith.constant 16 : i32
            %mul3A_114 = arith.muli %scan3A_105, %mul3A_113 : i32
            %swap3A = arith.index_cast %mul3A_114 : i32 to index
            %swap3A_115 = tpu.vector_load %arg9[%swap3A] {strides = array<i32>} : memref<80xi32, #tpu.memory_space<vmem>>, vector<16xi32>,
            %swap3A_116 = vector.shape_cast %swap3A_115 : vector<16xi32> to vector<16xi32>
            %swap3A_117 = vector.shape_cast %add3A_112 : vector<16xi32> to vector<16xi32>
            tpu.vector_store %arg9[%swap3A], %swap3A_117 {strides = array<i32>} : memref<80xi32, #tpu.memory_space<vmem>>, vector<16xi32>,
          }
          %scan3A_82 = arith.constant 5 : i32
          %dma_start3A_83 = arith.constant 0 : i32
          %dma_start3A_84 = arith.constant 0 : i32
          %dma_start3A_85 = tpu.memref_slice %arg4[%dma_start3A_83, %dma_start3A_84] : memref<160000x128xf32, #tpu.memory_space<hbm>> -> memref<160000x128xf32, #tpu.memory_space<hbm>>
          tpu.enqueue_indirect_dma source(%dma_start3A_85 : memref<160000x128xf32, #tpu.memory_space<hbm>>) target(%arg11 : memref<80x128xf32, #tpu.memory_space<vmem>>) offsets(%arg9 : memref<80xi32, #tpu.memory_space<vmem>>) semaphore(%arg14 : memref<!tpu.dma_semaphore, #tpu.memory_space<semaphore_mem>>)
          %dma_wait3A_86 = arith.constant 0 : i32
          %dma_wait3A_87 = arith.constant 0 : i32
          %dma_wait3A_88 = tpu.memref_slice %arg4[%dma_wait3A_86, %dma_wait3A_87] : memref<160000x128xf32, #tpu.memory_space<hbm>> -> memref<160000x128xf32, #tpu.memory_space<hbm>>
          tpu.wait_indirect_dma semaphore(%arg13 : memref<!tpu.dma_semaphore, #tpu.memory_space<semaphore_mem>>) src(%dma_wait3A_88 : memref<160000x128xf32, #tpu.memory_space<hbm>>) dst(%arg10 : memref<80x128xf32, #tpu.memory_space<vmem>>)
          "tpu.region"() ({
            %run_scoped3A_105 = tpu.sem_alloc : memref<!tpu.dma_semaphore, #tpu.memory_space<semaphore_mem>>
            %dma_start3A_106 = arith.constant 0 : i32
            %dma_start3A_107 = tpu.memref_slice %arg7[%mul3A_74, %dma_start3A_106] : memref<50x80xi32, #tpu.memory_space<vmem>> -> memref<1x80xi32, #tpu.memory_space<vmem>>
            %dma_start3A_108 = tpu.memref_squeeze %dma_start3A_107 : memref<1x80xi32, #tpu.memory_space<vmem>> -> memref<80xi32, #tpu.memory_space<vmem>>
            %dma_start3A_109 = arith.constant 0 : i32
            %dma_start3A_110 = arith.constant 0 : i32
            %dma_start3A_111 = tpu.memref_slice %arg12[%dma_start3A_109, %dma_start3A_110] : memref<10240x128xf32, #tpu.memory_space<vmem_shared>> -> memref<10240x128xf32, #tpu.memory_space<vmem_shared>>
            tpu.enqueue_indirect_dma source(%arg10 : memref<80x128xf32, #tpu.memory_space<vmem>>) target(%dma_start3A_111 : memref<10240x128xf32, #tpu.memory_space<vmem_shared>>) offsets(%dma_start3A_108 : memref<80xi32, #tpu.memory_space<vmem>>) semaphore(%run_scoped3A_105 : memref<!tpu.dma_semaphore, #tpu.memory_space<semaphore_mem>>) {add = true}
            %dma_wait3A_112 = arith.constant 0 : i32
            %dma_wait3A_113 = tpu.memref_slice %arg7[%mul3A_74, %dma_wait3A_112] : memref<50x80xi32, #tpu.memory_space<vmem>> -> memref<1x80xi32, #tpu.memory_space<vmem>>
            %dma_wait3A_114 = tpu.memref_squeeze %dma_wait3A_113 : memref<1x80xi32, #tpu.memory_space<vmem>> -> memref<80xi32, #tpu.memory_space<vmem>>
            %dma_wait3A_115 = arith.constant 0 : i32
            %dma_wait3A_116 = arith.constant 0 : i32
            %dma_wait3A_117 = tpu.memref_slice %arg12[%dma_wait3A_115, %dma_wait3A_116] : memref<10240x128xf32, #tpu.memory_space<vmem_shared>> -> memref<10240x128xf32, #tpu.memory_space<vmem_shared>>
            tpu.wait_indirect_dma semaphore(%run_scoped3A_105 : memref<!tpu.dma_semaphore, #tpu.memory_space<semaphore_mem>>) src(%arg10 : memref<80x128xf32, #tpu.memory_space<vmem>>) dst(%dma_wait3A_117 : memref<10240x128xf32, #tpu.memory_space<vmem_shared>>)
            tpu.yield
          }) : () -> ()
          %add3A_89 = arith.constant 2 : i32
          %add3A_90 = arith.addi %mul3A_74, %add3A_89 : i32
          %scan3A_91 = arith.constant 0 : i32
          %scan3A_92 = arith.constant 0 : i32
          %scan3A_93 = arith.constant 5 : i32
          %scan3A_94 = arith.addi %scan3A_92, %scan3A_93 : i32
          %scan3A_95 = arith.constant 1 : i32
          scf.for %scan3A_105 = %scan3A_92 to %scan3A_94 step %scan3A_95  : i32 {
            %mul3A_106 = arith.constant 16 : i32
            %mul3A_107 = arith.muli %scan3A_105, %mul3A_106 : i32
            %get3A = arith.index_cast %add3A_90 : i32 to index
            %get3A_108 = arith.index_cast %mul3A_107 : i32 to index
            %get3A_109 = tpu.vector_load %arg6[%get3A, %get3A_108] {strides = array<i32>} : memref<50x80xi32, #tpu.memory_space<vmem>>, vector<1x16xi32>,
            %get3A_110 = vector.shape_cast %get3A_109 : vector<1x16xi32> to vector<16xi32>
            %add3A_111 = vector.broadcast %mul3A_10 : i32 to vector<16xi32>
            %add3A_112 = arith.addi %get3A_110, %add3A_111 : vector<16xi32>
            %mul3A_113 = arith.constant 16 : i32
            %mul3A_114 = arith.muli %scan3A_105, %mul3A_113 : i32
            %swap3A = arith.index_cast %mul3A_114 : i32 to index
            %swap3A_115 = tpu.vector_load %arg8[%swap3A] {strides = array<i32>} : memref<80xi32, #tpu.memory_space<vmem>>, vector<16xi32>,
            %swap3A_116 = vector.shape_cast %swap3A_115 : vector<16xi32> to vector<16xi32>
            %swap3A_117 = vector.shape_cast %add3A_112 : vector<16xi32> to vector<16xi32>
            tpu.vector_store %arg8[%swap3A], %swap3A_117 {strides = array<i32>} : memref<80xi32, #tpu.memory_space<vmem>>, vector<16xi32>,
          }
          %scan3A_96 = arith.constant 5 : i32
          %dma_start3A_97 = arith.constant 0 : i32
          %dma_start3A_98 = arith.constant 0 : i32
          %dma_start3A_99 = tpu.memref_slice %arg4[%dma_start3A_97, %dma_start3A_98] : memref<160000x128xf32, #tpu.memory_space<hbm>> -> memref<160000x128xf32, #tpu.memory_space<hbm>>
          tpu.enqueue_indirect_dma source(%dma_start3A_99 : memref<160000x128xf32, #tpu.memory_space<hbm>>) target(%arg10 : memref<80x128xf32, #tpu.memory_space<vmem>>) offsets(%arg8 : memref<80xi32, #tpu.memory_space<vmem>>) semaphore(%arg13 : memref<!tpu.dma_semaphore, #tpu.memory_space<semaphore_mem>>)
          %add3A_100 = arith.constant 1 : i32
          %add3A_101 = arith.addi %mul3A_74, %add3A_100 : i32
          %dma_wait3A_102 = arith.constant 0 : i32
          %dma_wait3A_103 = arith.constant 0 : i32
          %dma_wait3A_104 = tpu.memref_slice %arg4[%dma_wait3A_102, %dma_wait3A_103] : memref<160000x128xf32, #tpu.memory_space<hbm>> -> memref<160000x128xf32, #tpu.memory_space<hbm>>
          tpu.wait_indirect_dma semaphore(%arg14 : memref<!tpu.dma_semaphore, #tpu.memory_space<semaphore_mem>>) src(%dma_wait3A_104 : memref<160000x128xf32, #tpu.memory_space<hbm>>) dst(%arg11 : memref<80x128xf32, #tpu.memory_space<vmem>>)
          "tpu.region"() ({
            %run_scoped3A_105 = tpu.sem_alloc : memref<!tpu.dma_semaphore, #tpu.memory_space<semaphore_mem>>
            %dma_start3A_106 = arith.constant 0 : i32
            %dma_start3A_107 = tpu.memref_slice %arg7[%add3A_101, %dma_start3A_106] : memref<50x80xi32, #tpu.memory_space<vmem>> -> memref<1x80xi32, #tpu.memory_space<vmem>>
            %dma_start3A_108 = tpu.memref_squeeze %dma_start3A_107 : memref<1x80xi32, #tpu.memory_space<vmem>> -> memref<80xi32, #tpu.memory_space<vmem>>
            %dma_start3A_109 = arith.constant 0 : i32
            %dma_start3A_110 = arith.constant 0 : i32
            %dma_start3A_111 = tpu.memref_slice %arg12[%dma_start3A_109, %dma_start3A_110] : memref<10240x128xf32, #tpu.memory_space<vmem_shared>> -> memref<10240x128xf32, #tpu.memory_space<vmem_shared>>
            tpu.enqueue_indirect_dma source(%arg11 : memref<80x128xf32, #tpu.memory_space<vmem>>) target(%dma_start3A_111 : memref<10240x128xf32, #tpu.memory_space<vmem_shared>>) offsets(%dma_start3A_108 : memref<80xi32, #tpu.memory_space<vmem>>) semaphore(%run_scoped3A_105 : memref<!tpu.dma_semaphore, #tpu.memory_space<semaphore_mem>>) {add = true}
            %dma_wait3A_112 = arith.constant 0 : i32
            %dma_wait3A_113 = tpu.memref_slice %arg7[%add3A_101, %dma_wait3A_112] : memref<50x80xi32, #tpu.memory_space<vmem>> -> memref<1x80xi32, #tpu.memory_space<vmem>>
            %dma_wait3A_114 = tpu.memref_squeeze %dma_wait3A_113 : memref<1x80xi32, #tpu.memory_space<vmem>> -> memref<80xi32, #tpu.memory_space<vmem>>
            %dma_wait3A_115 = arith.constant 0 : i32
            %dma_wait3A_116 = arith.constant 0 : i32
            %dma_wait3A_117 = tpu.memref_slice %arg12[%dma_wait3A_115, %dma_wait3A_116] : memref<10240x128xf32, #tpu.memory_space<vmem_shared>> -> memref<10240x128xf32, #tpu.memory_space<vmem_shared>>
            tpu.wait_indirect_dma semaphore(%run_scoped3A_105 : memref<!tpu.dma_semaphore, #tpu.memory_space<semaphore_mem>>) src(%arg11 : memref<80x128xf32, #tpu.memory_space<vmem>>) dst(%dma_wait3A_117 : memref<10240x128xf32, #tpu.memory_space<vmem_shared>>)
            tpu.yield
          }) : () -> ()
        }
        %scan3A_56 = arith.constant 24 : i32
        %scan3A_57 = arith.constant 0 : i32
        %scan3A_58 = arith.constant 0 : i32
        %scan3A_59 = arith.constant 5 : i32
        %scan3A_60 = arith.addi %scan3A_58, %scan3A_59 : i32
        %scan3A_61 = arith.constant 1 : i32
        scf.for %scan3A_72 = %scan3A_58 to %scan3A_60 step %scan3A_61  : i32 {
          %mul3A_73 = arith.constant 16 : i32
          %mul3A_74 = arith.muli %scan3A_72, %mul3A_73 : i32
          %get3A = arith.constant 49 : i32
          %get3A_75 = arith.index_cast %get3A : i32 to index
          %get3A_76 = arith.index_cast %mul3A_74 : i32 to index
          %get3A_77 = tpu.vector_load %arg6[%get3A_75, %get3A_76] {strides = array<i32>} : memref<50x80xi32, #tpu.memory_space<vmem>>, vector<1x16xi32>,
          %get3A_78 = vector.shape_cast %get3A_77 : vector<1x16xi32> to vector<16xi32>
          %add3A_79 = vector.broadcast %mul3A_10 : i32 to vector<16xi32>
          %add3A_80 = arith.addi %get3A_78, %add3A_79 : vector<16xi32>
          %mul3A_81 = arith.constant 16 : i32
          %mul3A_82 = arith.muli %scan3A_72, %mul3A_81 : i32
          %swap3A = arith.index_cast %mul3A_82 : i32 to index
          %swap3A_83 = tpu.vector_load %arg9[%swap3A] {strides = array<i32>} : memref<80xi32, #tpu.memory_space<vmem>>, vector<16xi32>,
          %swap3A_84 = vector.shape_cast %swap3A_83 : vector<16xi32> to vector<16xi32>
          %swap3A_85 = vector.shape_cast %add3A_80 : vector<16xi32> to vector<16xi32>
          tpu.vector_store %arg9[%swap3A], %swap3A_85 {strides = array<i32>} : memref<80xi32, #tpu.memory_space<vmem>>, vector<16xi32>,
        }
        %scan3A_62 = arith.constant 5 : i32
        %dma_start3A_63 = arith.constant 0 : i32
        %dma_start3A_64 = arith.constant 0 : i32
        %dma_start3A_65 = tpu.memref_slice %arg4[%dma_start3A_63, %dma_start3A_64] : memref<160000x128xf32, #tpu.memory_space<hbm>> -> memref<160000x128xf32, #tpu.memory_space<hbm>>
        tpu.enqueue_indirect_dma source(%dma_start3A_65 : memref<160000x128xf32, #tpu.memory_space<hbm>>) target(%arg11 : memref<80x128xf32, #tpu.memory_space<vmem>>) offsets(%arg9 : memref<80xi32, #tpu.memory_space<vmem>>) semaphore(%arg14 : memref<!tpu.dma_semaphore, #tpu.memory_space<semaphore_mem>>)
        %dma_wait3A = arith.constant 0 : i32
        %dma_wait3A_66 = arith.constant 0 : i32
        %dma_wait3A_67 = tpu.memref_slice %arg4[%dma_wait3A, %dma_wait3A_66] : memref<160000x128xf32, #tpu.memory_space<hbm>> -> memref<160000x128xf32, #tpu.memory_space<hbm>>
        tpu.wait_indirect_dma semaphore(%arg13 : memref<!tpu.dma_semaphore, #tpu.memory_space<semaphore_mem>>) src(%dma_wait3A_67 : memref<160000x128xf32, #tpu.memory_space<hbm>>) dst(%arg10 : memref<80x128xf32, #tpu.memory_space<vmem>>)
        %run_scoped3A = arith.constant 48 : i32
        "tpu.region"() ({
          %run_scoped3A_72 = tpu.sem_alloc : memref<!tpu.dma_semaphore, #tpu.memory_space<semaphore_mem>>
          %dma_start3A_73 = arith.constant 0 : i32
          %dma_start3A_74 = tpu.memref_slice %arg7[%run_scoped3A, %dma_start3A_73] : memref<50x80xi32, #tpu.memory_space<vmem>> -> memref<1x80xi32, #tpu.memory_space<vmem>>
          %dma_start3A_75 = tpu.memref_squeeze %dma_start3A_74 : memref<1x80xi32, #tpu.memory_space<vmem>> -> memref<80xi32, #tpu.memory_space<vmem>>
          %dma_start3A_76 = arith.constant 0 : i32
          %dma_start3A_77 = arith.constant 0 : i32
          %dma_start3A_78 = tpu.memref_slice %arg12[%dma_start3A_76, %dma_start3A_77] : memref<10240x128xf32, #tpu.memory_space<vmem_shared>> -> memref<10240x128xf32, #tpu.memory_space<vmem_shared>>
          tpu.enqueue_indirect_dma source(%arg10 : memref<80x128xf32, #tpu.memory_space<vmem>>) target(%dma_start3A_78 : memref<10240x128xf32, #tpu.memory_space<vmem_shared>>) offsets(%dma_start3A_75 : memref<80xi32, #tpu.memory_space<vmem>>) semaphore(%run_scoped3A_72 : memref<!tpu.dma_semaphore, #tpu.memory_space<semaphore_mem>>) {add = true}
          %dma_wait3A_79 = arith.constant 0 : i32
          %dma_wait3A_80 = tpu.memref_slice %arg7[%run_scoped3A, %dma_wait3A_79] : memref<50x80xi32, #tpu.memory_space<vmem>> -> memref<1x80xi32, #tpu.memory_space<vmem>>
          %dma_wait3A_81 = tpu.memref_squeeze %dma_wait3A_80 : memref<1x80xi32, #tpu.memory_space<vmem>> -> memref<80xi32, #tpu.memory_space<vmem>>
          %dma_wait3A_82 = arith.constant 0 : i32
          %dma_wait3A_83 = arith.constant 0 : i32
          %dma_wait3A_84 = tpu.memref_slice %arg12[%dma_wait3A_82, %dma_wait3A_83] : memref<10240x128xf32, #tpu.memory_space<vmem_shared>> -> memref<10240x128xf32, #tpu.memory_space<vmem_shared>>
          tpu.wait_indirect_dma semaphore(%run_scoped3A_72 : memref<!tpu.dma_semaphore, #tpu.memory_space<semaphore_mem>>) src(%arg10 : memref<80x128xf32, #tpu.memory_space<vmem>>) dst(%dma_wait3A_84 : memref<10240x128xf32, #tpu.memory_space<vmem_shared>>)
          tpu.yield
        }) : () -> ()
        %dma_wait3A_68 = arith.constant 0 : i32
        %dma_wait3A_69 = arith.constant 0 : i32
        %dma_wait3A_70 = tpu.memref_slice %arg4[%dma_wait3A_68, %dma_wait3A_69] : memref<160000x128xf32, #tpu.memory_space<hbm>> -> memref<160000x128xf32, #tpu.memory_space<hbm>>
        tpu.wait_indirect_dma semaphore(%arg14 : memref<!tpu.dma_semaphore, #tpu.memory_space<semaphore_mem>>) src(%dma_wait3A_70 : memref<160000x128xf32, #tpu.memory_space<hbm>>) dst(%arg11 : memref<80x128xf32, #tpu.memory_space<vmem>>)
        %run_scoped3A_71 = arith.constant 49 : i32
        "tpu.region"() ({
          %run_scoped3A_72 = tpu.sem_alloc : memref<!tpu.dma_semaphore, #tpu.memory_space<semaphore_mem>>
          %dma_start3A_73 = arith.constant 0 : i32
          %dma_start3A_74 = tpu.memref_slice %arg7[%run_scoped3A_71, %dma_start3A_73] : memref<50x80xi32, #tpu.memory_space<vmem>> -> memref<1x80xi32, #tpu.memory_space<vmem>>
          %dma_start3A_75 = tpu.memref_squeeze %dma_start3A_74 : memref<1x80xi32, #tpu.memory_space<vmem>> -> memref<80xi32, #tpu.memory_space<vmem>>
          %dma_start3A_76 = arith.constant 0 : i32
          %dma_start3A_77 = arith.constant 0 : i32
          %dma_start3A_78 = tpu.memref_slice %arg12[%dma_start3A_76, %dma_start3A_77] : memref<10240x128xf32, #tpu.memory_space<vmem_shared>> -> memref<10240x128xf32, #tpu.memory_space<vmem_shared>>
          tpu.enqueue_indirect_dma source(%arg11 : memref<80x128xf32, #tpu.memory_space<vmem>>) target(%dma_start3A_78 : memref<10240x128xf32, #tpu.memory_space<vmem_shared>>) offsets(%dma_start3A_75 : memref<80xi32, #tpu.memory_space<vmem>>) semaphore(%run_scoped3A_72 : memref<!tpu.dma_semaphore, #tpu.memory_space<semaphore_mem>>) {add = true}
          %dma_wait3A_79 = arith.constant 0 : i32
          %dma_wait3A_80 = tpu.memref_slice %arg7[%run_scoped3A_71, %dma_wait3A_79] : memref<50x80xi32, #tpu.memory_space<vmem>> -> memref<1x80xi32, #tpu.memory_space<vmem>>
          %dma_wait3A_81 = tpu.memref_squeeze %dma_wait3A_80 : memref<1x80xi32, #tpu.memory_space<vmem>> -> memref<80xi32, #tpu.memory_space<vmem>>
          %dma_wait3A_82 = arith.constant 0 : i32
          %dma_wait3A_83 = arith.constant 0 : i32
          %dma_wait3A_84 = tpu.memref_slice %arg12[%dma_wait3A_82, %dma_wait3A_83] : memref<10240x128xf32, #tpu.memory_space<vmem_shared>> -> memref<10240x128xf32, #tpu.memory_space<vmem_shared>>
          tpu.wait_indirect_dma semaphore(%run_scoped3A_72 : memref<!tpu.dma_semaphore, #tpu.memory_space<semaphore_mem>>) src(%arg11 : memref<80x128xf32, #tpu.memory_space<vmem>>) dst(%dma_wait3A_84 : memref<10240x128xf32, #tpu.memory_space<vmem_shared>>)
          tpu.yield
        }) : () -> ()
      }
      %scan3A_28 = arith.constant 5 : i32
      %barrier3A_29 = arith.constant 0 : index
      tpu.barrier barrier_id(%barrier3A_29)
      %scan3A_30 = arith.constant 0 : i32
      %scan3A_31 = arith.constant 0 : i32
      %scan3A_32 = arith.constant 8 : i32
      %scan3A_33 = arith.addi %scan3A_31, %scan3A_32 : i32
      %scan3A_34 = arith.constant 1 : i32
      scf.for %scan3A_36 = %scan3A_31 to %scan3A_33 step %scan3A_34  : i32 {
        %mul3A_37 = arith.constant 80 : i32
        %mul3A_38 = arith.muli %scan3A_36, %mul3A_37 : i32
        %add3A_39 = arith.addi %mul3A_0, %mul3A_38 : i32
        "tpu.region"() ({
          %run_scoped3A = tpu.sem_alloc : memref<!tpu.dma_semaphore, #tpu.memory_space<semaphore_mem>>
          %dma_start3A = arith.constant 0 : i32
          %dma_start3A_43 = tpu.memref_slice %arg12[%add3A_39, %dma_start3A] : memref<10240x128xf32, #tpu.memory_space<vmem_shared>> -> memref<80x128xf32, #tpu.memory_space<vmem_shared>>
          %dma_start3A_44 = arith.constant 0 : i32
          %dma_start3A_45 = tpu.memref_slice %arg12[%add3A_39, %dma_start3A_44] : memref<10240x128xf32, #tpu.memory_space<vmem_shared>> -> memref<80x128xf32, #tpu.memory_space<vmem_shared>>
          tpu.enqueue_dma source(%dma_start3A_45 : memref<80x128xf32, #tpu.memory_space<vmem_shared>>) target(%arg10 : memref<80x128xf32, #tpu.memory_space<vmem>>) target_semaphore(%run_scoped3A : memref<!tpu.dma_semaphore, #tpu.memory_space<semaphore_mem>>)
          %dma_wait3A = arith.constant 0 : i32
          %dma_wait3A_46 = tpu.memref_slice %arg12[%add3A_39, %dma_wait3A] : memref<10240x128xf32, #tpu.memory_space<vmem_shared>> -> memref<80x128xf32, #tpu.memory_space<vmem_shared>>
          %dma_wait3A_47 = arith.constant 0 : i32
          %dma_wait3A_48 = tpu.memref_slice %arg12[%add3A_39, %dma_wait3A_47] : memref<10240x128xf32, #tpu.memory_space<vmem_shared>> -> memref<80x128xf32, #tpu.memory_space<vmem_shared>>
          tpu.wait_dma2 semaphore(%run_scoped3A : memref<!tpu.dma_semaphore, #tpu.memory_space<semaphore_mem>>) src(%dma_wait3A_48 : memref<80x128xf32, #tpu.memory_space<vmem_shared>>) dst(%arg10 : memref<80x128xf32, #tpu.memory_space<vmem>>)
          tpu.yield
        }) : () -> ()
        %mul3A_40 = arith.constant 80 : i32
        %mul3A_41 = arith.muli %scan3A_36, %mul3A_40 : i32
        %add3A_42 = arith.addi %mul3A_0, %mul3A_41 : i32
        "tpu.region"() ({
          %run_scoped3A = tpu.sem_alloc : memref<!tpu.dma_semaphore, #tpu.memory_space<semaphore_mem>>
          %dma_start3A = arith.constant 0 : i32
          %dma_start3A_43 = tpu.memref_slice %arg5[%add3A, %add3A_42, %dma_start3A] : memref<16x10240x128xf32, #tpu.memory_space<hbm>> -> memref<1x80x128xf32, #tpu.memory_space<hbm>>
          %dma_start3A_44 = tpu.memref_squeeze %dma_start3A_43 : memref<1x80x128xf32, #tpu.memory_space<hbm>> -> memref<80x128xf32, #tpu.memory_space<hbm>>
          %dma_start3A_45 = arith.constant 0 : i32
          %dma_start3A_46 = tpu.memref_slice %arg5[%add3A, %add3A_42, %dma_start3A_45] : memref<16x10240x128xf32, #tpu.memory_space<hbm>> -> memref<1x80x128xf32, #tpu.memory_space<hbm>>
          %dma_start3A_47 = tpu.memref_squeeze %dma_start3A_46 : memref<1x80x128xf32, #tpu.memory_space<hbm>> -> memref<80x128xf32, #tpu.memory_space<hbm>>
          tpu.enqueue_dma source(%arg10 : memref<80x128xf32, #tpu.memory_space<vmem>>) target(%dma_start3A_47 : memref<80x128xf32, #tpu.memory_space<hbm>>) target_semaphore(%run_scoped3A : memref<!tpu.dma_semaphore, #tpu.memory_space<semaphore_mem>>)
          %dma_wait3A = arith.constant 0 : i32
          %dma_wait3A_48 = tpu.memref_slice %arg5[%add3A, %add3A_42, %dma_wait3A] : memref<16x10240x128xf32, #tpu.memory_space<hbm>> -> memref<1x80x128xf32, #tpu.memory_space<hbm>>
          %dma_wait3A_49 = tpu.memref_squeeze %dma_wait3A_48 : memref<1x80x128xf32, #tpu.memory_space<hbm>> -> memref<80x128xf32, #tpu.memory_space<hbm>>
          %dma_wait3A_50 = arith.constant 0 : i32
          %dma_wait3A_51 = tpu.memref_slice %arg5[%add3A, %add3A_42, %dma_wait3A_50] : memref<16x10240x128xf32, #tpu.memory_space<hbm>> -> memref<1x80x128xf32, #tpu.memory_space<hbm>>
          %dma_wait3A_52 = tpu.memref_squeeze %dma_wait3A_51 : memref<1x80x128xf32, #tpu.memory_space<hbm>> -> memref<80x128xf32, #tpu.memory_space<hbm>>
          tpu.wait_dma2 semaphore(%run_scoped3A : memref<!tpu.dma_semaphore, #tpu.memory_space<semaphore_mem>>) src(%arg10 : memref<80x128xf32, #tpu.memory_space<vmem>>) dst(%dma_wait3A_52 : memref<80x128xf32, #tpu.memory_space<hbm>>)
          tpu.yield
        }) : () -> ()
      }
      %scan3A_35 = arith.constant 8 : i32
    }
    %scan3A_5 = arith.constant 8 : i32
    return
  }
}

module attributes {stable_mosaic.version = 14 : i64} {
  func.func @_prep_body(%arg0: i32, %arg1: i32, %arg2: memref<1x2000x512xf32, #tpu.memory_space<vmem>>, %arg3: memref<2x2000x32xf32, #tpu.memory_space<vmem>>, %arg4: memref<512x256xf32, #tpu.memory_space<vmem>>, %arg5: memref<1x2x2000x128xf32, #tpu.memory_space<vmem>>, %arg6: memref<1x1x2000xf32, #tpu.memory_space<vmem>>) attributes {dimension_semantics = [#tpu.dimension_semantics<arbitrary>, #tpu.dimension_semantics<arbitrary>], iteration_bounds = array<i64: 8, 5>, scalar_prefetch = 0 : i64, scratch_operands = 0 : i64, tpu.core_type = #tpu.core_type<tc>, window_params = [{transform_indices = @transform_0, window_bounds = array<i64: 1, 2000, 512>}, {transform_indices = @transform_1, window_bounds = array<i64: 2, 2000, 32>}, {pipeline_mode = #tpu.pipeline_mode<synchronous>, transform_indices = @transform_2, window_bounds = array<i64: 512, 256>}, {transform_indices = @transform_3, window_bounds = array<i64: 1, 2, 2000, 128>}, {transform_indices = @transform_4, window_bounds = array<i64: 1, 1, 2000>}]} {
    %get3A = arith.constant 0 : index
    %get3A_0 = arith.constant 0 : index
    %get3A_1 = arith.constant 0 : index
    %get3A_2 = vector.load %arg3[%get3A, %get3A_0, %get3A_1] : memref<2x2000x32xf32, #tpu.memory_space<vmem>>, vector<1x2000x1xf32>
    %get3A_3 = vector.shape_cast %get3A_2 : vector<1x2000x1xf32> to vector<2000xf32>
    %get3A_4 = arith.constant 1 : index
    %get3A_5 = arith.constant 0 : index
    %get3A_6 = arith.constant 0 : index
    %get3A_7 = vector.load %arg3[%get3A_4, %get3A_5, %get3A_6] : memref<2x2000x32xf32, #tpu.memory_space<vmem>>, vector<1x2000x1xf32>
    %get3A_8 = vector.shape_cast %get3A_7 : vector<1x2000x1xf32> to vector<2000xf32>
    %add3A = arith.addf %get3A_3, %get3A_8 : vector<2000xf32>
    %add3A_9 = arith.constant 1.000000e+00 : f32
    %add3A_10 = vector.broadcast %add3A_9 : f32 to vector<2000xf32>
    %add3A_11 = arith.addf %add3A, %add3A_10 : vector<2000xf32>
    %rsqrt3A = math.rsqrt %add3A_11 : vector<2000xf32>
    %get3A_12 = arith.constant 0 : index
    %get3A_13 = arith.constant 0 : index
    %get3A_14 = arith.constant 0 : index
    %get3A_15 = vector.load %arg2[%get3A_12, %get3A_13, %get3A_14] : memref<1x2000x512xf32, #tpu.memory_space<vmem>>, vector<1x2000x512xf32>
    %get3A_16 = vector.shape_cast %get3A_15 : vector<1x2000x512xf32> to vector<2000x512xf32>
    %get3A_17 = arith.constant 0 : index
    %get3A_18 = arith.constant 0 : index
    %get3A_19 = vector.load %arg4[%get3A_17, %get3A_18] : memref<512x256xf32, #tpu.memory_space<vmem>>, vector<512x256xf32>
    %dot_general3A = arith.constant dense<0.000000e+00> : vector<2000x256xf32>
    %dot_general3A_20 = tpu.matmul %get3A_16, %get3A_19, %dot_general3A {dimension_numbers = #tpu.dot_dimension_numbers<[1], [0], [0], [1], [0, 0, 1, 1], [], []>, transpose_lhs_hint = false} : vector<2000x512xf32>, vector<512x256xf32>, vector<2000x256xf32> -> vector<2000x256xf32>
    %broadcast_in_dim3A = vector.shape_cast %rsqrt3A : vector<2000xf32> to vector<2000x1xf32>
    %mul3A = vector.broadcast %broadcast_in_dim3A : vector<2000x1xf32> to vector<2000x256xf32>
    %mul3A_21 = arith.mulf %dot_general3A_20, %mul3A : vector<2000x256xf32>
    %slice3A = vector.extract_strided_slice %mul3A_21 {offsets = [0, 0], sizes = [2000, 128], strides = [1, 1]} : vector<2000x256xf32> to vector<2000x128xf32>
    %swap3A = arith.constant 0 : index
    %swap3A_22 = arith.constant 0 : index
    %swap3A_23 = arith.constant 0 : index
    %swap3A_24 = arith.constant 0 : index
    %swap3A_25 = vector.load %arg5[%swap3A, %swap3A_22, %swap3A_23, %swap3A_24] : memref<1x2x2000x128xf32, #tpu.memory_space<vmem>>, vector<1x1x2000x128xf32>
    %swap3A_26 = vector.shape_cast %swap3A_25 : vector<1x1x2000x128xf32> to vector<2000x128xf32>
    %swap3A_27 = vector.shape_cast %slice3A : vector<2000x128xf32> to vector<1x1x2000x128xf32>
    tpu.vector_store %arg5[%swap3A, %swap3A_22, %swap3A_23, %swap3A_24], %swap3A_27 {strides = array<i32>} : memref<1x2x2000x128xf32, #tpu.memory_space<vmem>>, vector<1x1x2000x128xf32>,
    %slice3A_28 = vector.extract_strided_slice %mul3A_21 {offsets = [0, 128], sizes = [2000, 128], strides = [1, 1]} : vector<2000x256xf32> to vector<2000x128xf32>
    %swap3A_29 = arith.constant 0 : index
    %swap3A_30 = arith.constant 1 : index
    %swap3A_31 = arith.constant 0 : index
    %swap3A_32 = arith.constant 0 : index
    %swap3A_33 = vector.load %arg5[%swap3A_29, %swap3A_30, %swap3A_31, %swap3A_32] : memref<1x2x2000x128xf32, #tpu.memory_space<vmem>>, vector<1x1x2000x128xf32>
    %swap3A_34 = vector.shape_cast %swap3A_33 : vector<1x1x2000x128xf32> to vector<2000x128xf32>
    %swap3A_35 = vector.shape_cast %slice3A_28 : vector<2000x128xf32> to vector<1x1x2000x128xf32>
    tpu.vector_store %arg5[%swap3A_29, %swap3A_30, %swap3A_31, %swap3A_32], %swap3A_35 {strides = array<i32>} : memref<1x2x2000x128xf32, #tpu.memory_space<vmem>>, vector<1x1x2000x128xf32>,
    %swap3A_36 = arith.constant 0 : index
    %swap3A_37 = arith.constant 0 : index
    %swap3A_38 = arith.constant 0 : index
    %swap3A_39 = vector.load %arg6[%swap3A_36, %swap3A_37, %swap3A_38] : memref<1x1x2000xf32, #tpu.memory_space<vmem>>, vector<1x1x2000xf32>
    %swap3A_40 = vector.shape_cast %swap3A_39 : vector<1x1x2000xf32> to vector<2000xf32>
    %swap3A_41 = vector.shape_cast %rsqrt3A : vector<2000xf32> to vector<1x1x2000xf32>
    tpu.vector_store %arg6[%swap3A_36, %swap3A_37, %swap3A_38], %swap3A_41 {strides = array<i32>} : memref<1x1x2000xf32, #tpu.memory_space<vmem>>, vector<1x1x2000xf32>,
    return
  }
  func.func @transform_0(%arg0: i32, %arg1: i32) -> (i32, i32, i32) {
    %c0_i32 = arith.constant 0 : i32
    %c0_i32_0 = arith.constant 0 : i32
    return %arg0, %arg1, %c0_i32 : i32, i32, i32
  }
  func.func @transform_1(%arg0: i32, %arg1: i32) -> (i32, i32, i32) {
    %c0_i32 = arith.constant 0 : i32
    %c0_i32_0 = arith.constant 0 : i32
    %c0_i32_1 = arith.constant 0 : i32
    return %c0_i32, %arg1, %c0_i32_0 : i32, i32, i32
  }
  func.func @transform_2(%arg0: i32, %arg1: i32) -> (i32, i32) {
    %c0_i32 = arith.constant 0 : i32
    %c0_i32_0 = arith.constant 0 : i32
    %c0_i32_1 = arith.constant 0 : i32
    return %c0_i32, %c0_i32_0 : i32, i32
  }
  func.func @transform_3(%arg0: i32, %arg1: i32) -> (i32, i32, i32, i32) {
    %c0_i32 = arith.constant 0 : i32
    %c0_i32_0 = arith.constant 0 : i32
    %c0_i32_1 = arith.constant 0 : i32
    return %arg0, %c0_i32, %arg1, %c0_i32_0 : i32, i32, i32, i32
  }
  func.func @transform_4(%arg0: i32, %arg1: i32) -> (i32, i32, i32) {
    %c0_i32 = arith.constant 0 : i32
    %c0_i32_0 = arith.constant 0 : i32
    %c0_i32_1 = arith.constant 0 : i32
    return %arg1, %c0_i32, %c0_i32_0 : i32, i32, i32
  }
}

module attributes {stable_mosaic.version = 14 : i64} {
  func.func @_gates_body(%arg0: i32, %arg1: i32, %arg2: memref<1x2x2000x128xf32, #tpu.memory_space<vmem>>, %arg3: memref<1x2x2000x128xf32, #tpu.memory_space<vmem>>, %arg4: memref<1x1x2000xf32, #tpu.memory_space<vmem>>, %arg5: memref<64x32xf32, #tpu.memory_space<vmem>>, %arg6: memref<32xf32, #tpu.memory_space<vmem>>, %arg7: memref<64x32xf32, #tpu.memory_space<vmem>>, %arg8: memref<32xf32, #tpu.memory_space<vmem>>, %arg9: memref<32xf32, #tpu.memory_space<vmem>>, %arg10: memref<32xf32, #tpu.memory_space<vmem>>, %arg11: memref<4xf32, #tpu.memory_space<vmem>>, %arg12: memref<32x4xf32, #tpu.memory_space<vmem>>, %arg13: memref<4xf32, #tpu.memory_space<vmem>>, %arg14: memref<1x2000x4xf32, #tpu.memory_space<vmem>>) attributes {dimension_semantics = [#tpu.dimension_semantics<arbitrary>, #tpu.dimension_semantics<arbitrary>], iteration_bounds = array<i64: 8, 5>, scalar_prefetch = 0 : i64, scratch_operands = 0 : i64, tpu.core_type = #tpu.core_type<tc>, window_params = [{transform_indices = @transform_0, window_bounds = array<i64: 1, 2, 2000, 128>}, {transform_indices = @transform_1, window_bounds = array<i64: 1, 2, 2000, 128>}, {transform_indices = @transform_2, window_bounds = array<i64: 1, 1, 2000>}, {pipeline_mode = #tpu.pipeline_mode<synchronous>, transform_indices = @transform_3, window_bounds = array<i64: 64, 32>}, {pipeline_mode = #tpu.pipeline_mode<synchronous>, transform_indices = @transform_4, window_bounds = array<i64: 32>}, {pipeline_mode = #tpu.pipeline_mode<synchronous>, transform_indices = @transform_5, window_bounds = array<i64: 64, 32>}, {pipeline_mode = #tpu.pipeline_mode<synchronous>, transform_indices = @transform_6, window_bounds = array<i64: 32>}, {pipeline_mode = #tpu.pipeline_mode<synchronous>, transform_indices = @transform_7, window_bounds = array<i64: 32>}, {pipeline_mode = #tpu.pipeline_mode<synchronous>, transform_indices = @transform_8, window_bounds = array<i64: 32>}, {pipeline_mode = #tpu.pipeline_mode<synchronous>, transform_indices = @transform_9, window_bounds = array<i64: 4>}, {pipeline_mode = #tpu.pipeline_mode<synchronous>, transform_indices = @transform_10, window_bounds = array<i64: 32, 4>}, {pipeline_mode = #tpu.pipeline_mode<synchronous>, transform_indices = @transform_11, window_bounds = array<i64: 4>}, {transform_indices = @transform_12, window_bounds = array<i64: 1, 2000, 4>}]} {
    %get3A = arith.constant 0 : index
    %get3A_0 = arith.constant 0 : index
    %get3A_1 = arith.constant 0 : index
    %get3A_2 = vector.load %arg4[%get3A, %get3A_0, %get3A_1] : memref<1x1x2000xf32, #tpu.memory_space<vmem>>, vector<1x1x2000xf32>
    %get3A_3 = vector.shape_cast %get3A_2 : vector<1x1x2000xf32> to vector<2000xf32>
    %broadcast_in_dim3A = vector.shape_cast %get3A_3 : vector<2000xf32> to vector<1x2000x1xf32>
    %get3A_4 = arith.constant 0 : index
    %get3A_5 = arith.constant 0 : index
    %get3A_6 = arith.constant 0 : index
    %get3A_7 = arith.constant 0 : index
    %get3A_8 = vector.load %arg2[%get3A_4, %get3A_5, %get3A_6, %get3A_7] : memref<1x2x2000x128xf32, #tpu.memory_space<vmem>>, vector<1x2x2000x128xf32>
    %get3A_9 = vector.shape_cast %get3A_8 : vector<1x2x2000x128xf32> to vector<2x2000x128xf32>
    %get3A_10 = arith.constant 0 : index
    %get3A_11 = arith.constant 0 : index
    %get3A_12 = arith.constant 0 : index
    %get3A_13 = arith.constant 0 : index
    %get3A_14 = vector.load %arg3[%get3A_10, %get3A_11, %get3A_12, %get3A_13] : memref<1x2x2000x128xf32, #tpu.memory_space<vmem>>, vector<1x2x2000x128xf32>
    %get3A_15 = vector.shape_cast %get3A_14 : vector<1x2x2000x128xf32> to vector<2x2000x128xf32>
    %add3A = arith.addf %get3A_9, %get3A_15 : vector<2x2000x128xf32>
    %mul3A = vector.broadcast %broadcast_in_dim3A : vector<1x2000x1xf32> to vector<2x2000x128xf32>
    %mul3A_16 = arith.mulf %mul3A, %add3A : vector<2x2000x128xf32>
    %get3A_17 = arith.constant 0 : index
    %get3A_18 = vector.load %arg11[%get3A_17] : memref<4xf32, #tpu.memory_space<vmem>>, vector<4xf32>
    %reduce_max3A = vector.shape_cast %get3A_18 : vector<4xf32> to vector<1x4xf32>
    %reduce_max3A_19 = arith.constant dense<0xFF800000> : vector<1xf32>
    %reduce_max3A_20 = vector.multi_reduction <maximumf>, %reduce_max3A, %reduce_max3A_19 [1] : vector<1x4xf32> to vector<1xf32>
    %reduce_max3A_21 = vector.shape_cast %reduce_max3A_20 : vector<1xf32> to vector<1x1xf32>
    %reduce_max3A_22 = vector.extract %reduce_max3A_21[0, 0] : f32 from vector<1x1xf32>
    %sub3A = vector.broadcast %reduce_max3A_22 : f32 to vector<4xf32>
    %sub3A_23 = arith.subf %get3A_18, %sub3A : vector<4xf32>
    %exp3A = math.exp %sub3A_23 : vector<4xf32>
    %reduce_sum3A = vector.shape_cast %exp3A : vector<4xf32> to vector<1x4xf32>
    %reduce_sum3A_24 = arith.constant dense<0.000000e+00> : vector<1xf32>
    %reduce_sum3A_25 = vector.multi_reduction <add>, %reduce_sum3A, %reduce_sum3A_24 [1] : vector<1x4xf32> to vector<1xf32>
    %reduce_sum3A_26 = vector.shape_cast %reduce_sum3A_25 : vector<1xf32> to vector<1x1xf32>
    %reduce_sum3A_27 = vector.extract %reduce_sum3A_26[0, 0] : f32 from vector<1x1xf32>
    %div3A = vector.broadcast %reduce_sum3A_27 : f32 to vector<4xf32>
    %div3A_28 = arith.divf %exp3A, %div3A : vector<4xf32>
    %broadcast_in_dim3A_29 = arith.constant 0.000000e+00 : f32
    %broadcast_in_dim3A_30 = vector.broadcast %broadcast_in_dim3A_29 : f32 to vector<2000x32xf32>
    %slice3A = vector.extract_strided_slice %mul3A_16 {offsets = [0, 0, 0], sizes = [1, 2000, 128], strides = [1, 1, 1]} : vector<2x2000x128xf32> to vector<1x2000x128xf32>
    %squeeze3A = vector.shape_cast %slice3A : vector<1x2000x128xf32> to vector<2000x128xf32>
    %slice3A_31 = vector.extract_strided_slice %squeeze3A {offsets = [0, 0], sizes = [2000, 64], strides = [1, 1]} : vector<2000x128xf32> to vector<2000x64xf32>
    %slice3A_32 = vector.extract_strided_slice %slice3A_31 {offsets = [0, 0], sizes = [2000, 32], strides = [1, 1]} : vector<2000x64xf32> to vector<2000x32xf32>
    %get3A_33 = arith.constant 0 : index
    %get3A_34 = vector.load %arg9[%get3A_33] : memref<32xf32, #tpu.memory_space<vmem>>, vector<32xf32>
    %broadcast_in_dim3A_35 = vector.shape_cast %get3A_34 : vector<32xf32> to vector<1x32xf32>
    %add3A_36 = vector.broadcast %broadcast_in_dim3A_35 : vector<1x32xf32> to vector<2000x32xf32>
    %add3A_37 = arith.addf %slice3A_32, %add3A_36 : vector<2000x32xf32>
    %slice3A_38 = vector.extract_strided_slice %slice3A_31 {offsets = [0, 32], sizes = [2000, 32], strides = [1, 1]} : vector<2000x64xf32> to vector<2000x32xf32>
    %get3A_39 = arith.constant 0 : index
    %get3A_40 = vector.load %arg10[%get3A_39] : memref<32xf32, #tpu.memory_space<vmem>>, vector<32xf32>
    %broadcast_in_dim3A_41 = vector.shape_cast %get3A_40 : vector<32xf32> to vector<1x32xf32>
    %add3A_42 = vector.broadcast %broadcast_in_dim3A_41 : vector<1x32xf32> to vector<2000x32xf32>
    %add3A_43 = arith.addf %slice3A_38, %add3A_42 : vector<2000x32xf32>
    %get3A_44 = arith.constant 0 : index
    %get3A_45 = arith.constant 0 : index
    %get3A_46 = vector.load %arg5[%get3A_44, %get3A_45] : memref<64x32xf32, #tpu.memory_space<vmem>>, vector<32x32xf32>
    %dot_general3A = arith.constant dense<0.000000e+00> : vector<2000x32xf32>
    %dot_general3A_47 = tpu.matmul %add3A_37, %get3A_46, %dot_general3A {dimension_numbers = #tpu.dot_dimension_numbers<[1], [0], [0], [1], [0, 0, 1, 1], [], []>, transpose_lhs_hint = false} : vector<2000x32xf32>, vector<32x32xf32>, vector<2000x32xf32> -> vector<2000x32xf32>
    %get3A_48 = arith.constant 0 : index
    %get3A_49 = vector.load %arg6[%get3A_48] : memref<32xf32, #tpu.memory_space<vmem>>, vector<32xf32>
    %broadcast_in_dim3A_50 = vector.shape_cast %get3A_49 : vector<32xf32> to vector<1x32xf32>
    %add3A_51 = vector.broadcast %broadcast_in_dim3A_50 : vector<1x32xf32> to vector<2000x32xf32>
    %add3A_52 = arith.addf %dot_general3A_47, %add3A_51 : vector<2000x32xf32>
    %logistic3A = arith.negf %add3A_52 : vector<2000x32xf32>
    %logistic3A_53 = math.exp %logistic3A : vector<2000x32xf32>
    %logistic3A_54 = arith.constant 1.000000e+00 : f32
    %logistic3A_55 = vector.broadcast %logistic3A_54 : f32 to vector<2000x32xf32>
    %logistic3A_56 = arith.addf %logistic3A_55, %logistic3A_53 : vector<2000x32xf32>
    %logistic3A_57 = arith.divf %logistic3A_55, %logistic3A_56 : vector<2000x32xf32>
    %get3A_58 = arith.constant 0 : index
    %get3A_59 = arith.constant 0 : index
    %get3A_60 = vector.load %arg7[%get3A_58, %get3A_59] : memref<64x32xf32, #tpu.memory_space<vmem>>, vector<32x32xf32>
    %dot_general3A_61 = arith.constant dense<0.000000e+00> : vector<2000x32xf32>
    %dot_general3A_62 = tpu.matmul %add3A_43, %get3A_60, %dot_general3A_61 {dimension_numbers = #tpu.dot_dimension_numbers<[1], [0], [0], [1], [0, 0, 1, 1], [], []>, transpose_lhs_hint = false} : vector<2000x32xf32>, vector<32x32xf32>, vector<2000x32xf32> -> vector<2000x32xf32>
    %get3A_63 = arith.constant 0 : index
    %get3A_64 = vector.load %arg8[%get3A_63] : memref<32xf32, #tpu.memory_space<vmem>>, vector<32xf32>
    %broadcast_in_dim3A_65 = vector.shape_cast %get3A_64 : vector<32xf32> to vector<1x32xf32>
    %add3A_66 = vector.broadcast %broadcast_in_dim3A_65 : vector<1x32xf32> to vector<2000x32xf32>
    %add3A_67 = arith.addf %dot_general3A_62, %add3A_66 : vector<2000x32xf32>
    %tanh3A = math.tanh %add3A_67 : vector<2000x32xf32>
    %slice3A_68 = vector.extract_strided_slice %div3A_28 {offsets = [0], sizes = [1], strides = [1]} : vector<4xf32> to vector<1xf32>
    %sub3A_69 = arith.constant 1.000000e+00 : f32
    %sub3A_70 = vector.broadcast %sub3A_69 : f32 to vector<2000x32xf32>
    %sub3A_71 = arith.subf %sub3A_70, %logistic3A_57 : vector<2000x32xf32>
    %mul3A_72 = arith.mulf %sub3A_71, %tanh3A : vector<2000x32xf32>
    %broadcast_in_dim3A_73 = vector.shape_cast %slice3A_68 : vector<1xf32> to vector<1x1xf32>
    %mul3A_74 = vector.broadcast %broadcast_in_dim3A_73 : vector<1x1xf32> to vector<2000x32xf32>
    %mul3A_75 = arith.mulf %mul3A_74, %mul3A_72 : vector<2000x32xf32>
    %add3A_76 = arith.addf %broadcast_in_dim3A_30, %mul3A_75 : vector<2000x32xf32>
    %slice3A_77 = vector.extract_strided_slice %mul3A_16 {offsets = [0, 0, 0], sizes = [1, 2000, 128], strides = [1, 1, 1]} : vector<2x2000x128xf32> to vector<1x2000x128xf32>
    %squeeze3A_78 = vector.shape_cast %slice3A_77 : vector<1x2000x128xf32> to vector<2000x128xf32>
    %slice3A_79 = vector.extract_strided_slice %squeeze3A_78 {offsets = [0, 64], sizes = [2000, 64], strides = [1, 1]} : vector<2000x128xf32> to vector<2000x64xf32>
    %slice3A_80 = vector.extract_strided_slice %slice3A_79 {offsets = [0, 0], sizes = [2000, 32], strides = [1, 1]} : vector<2000x64xf32> to vector<2000x32xf32>
    %get3A_81 = arith.constant 0 : index
    %get3A_82 = vector.load %arg9[%get3A_81] : memref<32xf32, #tpu.memory_space<vmem>>, vector<32xf32>
    %broadcast_in_dim3A_83 = vector.shape_cast %get3A_82 : vector<32xf32> to vector<1x32xf32>
    %add3A_84 = vector.broadcast %broadcast_in_dim3A_83 : vector<1x32xf32> to vector<2000x32xf32>
    %add3A_85 = arith.addf %slice3A_80, %add3A_84 : vector<2000x32xf32>
    %slice3A_86 = vector.extract_strided_slice %slice3A_79 {offsets = [0, 32], sizes = [2000, 32], strides = [1, 1]} : vector<2000x64xf32> to vector<2000x32xf32>
    %get3A_87 = arith.constant 0 : index
    %get3A_88 = vector.load %arg10[%get3A_87] : memref<32xf32, #tpu.memory_space<vmem>>, vector<32xf32>
    %broadcast_in_dim3A_89 = vector.shape_cast %get3A_88 : vector<32xf32> to vector<1x32xf32>
    %add3A_90 = vector.broadcast %broadcast_in_dim3A_89 : vector<1x32xf32> to vector<2000x32xf32>
    %add3A_91 = arith.addf %slice3A_86, %add3A_90 : vector<2000x32xf32>
    %get3A_92 = arith.constant 0 : index
    %get3A_93 = arith.constant 0 : index
    %get3A_94 = vector.load %arg5[%get3A_92, %get3A_93] : memref<64x32xf32, #tpu.memory_space<vmem>>, vector<32x32xf32>
    %dot_general3A_95 = arith.constant dense<0.000000e+00> : vector<2000x32xf32>
    %dot_general3A_96 = tpu.matmul %add3A_85, %get3A_94, %dot_general3A_95 {dimension_numbers = #tpu.dot_dimension_numbers<[1], [0], [0], [1], [0, 0, 1, 1], [], []>, transpose_lhs_hint = false} : vector<2000x32xf32>, vector<32x32xf32>, vector<2000x32xf32> -> vector<2000x32xf32>
    %get3A_97 = arith.constant 0 : index
    %get3A_98 = vector.load %arg6[%get3A_97] : memref<32xf32, #tpu.memory_space<vmem>>, vector<32xf32>
    %broadcast_in_dim3A_99 = vector.shape_cast %get3A_98 : vector<32xf32> to vector<1x32xf32>
    %add3A_100 = vector.broadcast %broadcast_in_dim3A_99 : vector<1x32xf32> to vector<2000x32xf32>
    %add3A_101 = arith.addf %dot_general3A_96, %add3A_100 : vector<2000x32xf32>
    %logistic3A_102 = arith.negf %add3A_101 : vector<2000x32xf32>
    %logistic3A_103 = math.exp %logistic3A_102 : vector<2000x32xf32>
    %logistic3A_104 = arith.constant 1.000000e+00 : f32
    %logistic3A_105 = vector.broadcast %logistic3A_104 : f32 to vector<2000x32xf32>
    %logistic3A_106 = arith.addf %logistic3A_105, %logistic3A_103 : vector<2000x32xf32>
    %logistic3A_107 = arith.divf %logistic3A_105, %logistic3A_106 : vector<2000x32xf32>
    %get3A_108 = arith.constant 0 : index
    %get3A_109 = arith.constant 0 : index
    %get3A_110 = vector.load %arg7[%get3A_108, %get3A_109] : memref<64x32xf32, #tpu.memory_space<vmem>>, vector<32x32xf32>
    %dot_general3A_111 = arith.constant dense<0.000000e+00> : vector<2000x32xf32>
    %dot_general3A_112 = tpu.matmul %add3A_91, %get3A_110, %dot_general3A_111 {dimension_numbers = #tpu.dot_dimension_numbers<[1], [0], [0], [1], [0, 0, 1, 1], [], []>, transpose_lhs_hint = false} : vector<2000x32xf32>, vector<32x32xf32>, vector<2000x32xf32> -> vector<2000x32xf32>
    %get3A_113 = arith.constant 0 : index
    %get3A_114 = vector.load %arg8[%get3A_113] : memref<32xf32, #tpu.memory_space<vmem>>, vector<32xf32>
    %broadcast_in_dim3A_115 = vector.shape_cast %get3A_114 : vector<32xf32> to vector<1x32xf32>
    %add3A_116 = vector.broadcast %broadcast_in_dim3A_115 : vector<1x32xf32> to vector<2000x32xf32>
    %add3A_117 = arith.addf %dot_general3A_112, %add3A_116 : vector<2000x32xf32>
    %tanh3A_118 = math.tanh %add3A_117 : vector<2000x32xf32>
    %slice3A_119 = vector.extract_strided_slice %div3A_28 {offsets = [1], sizes = [1], strides = [1]} : vector<4xf32> to vector<1xf32>
    %sub3A_120 = arith.constant 1.000000e+00 : f32
    %sub3A_121 = vector.broadcast %sub3A_120 : f32 to vector<2000x32xf32>
    %sub3A_122 = arith.subf %sub3A_121, %logistic3A_107 : vector<2000x32xf32>
    %mul3A_123 = arith.mulf %sub3A_122, %tanh3A_118 : vector<2000x32xf32>
    %broadcast_in_dim3A_124 = vector.shape_cast %slice3A_119 : vector<1xf32> to vector<1x1xf32>
    %mul3A_125 = vector.broadcast %broadcast_in_dim3A_124 : vector<1x1xf32> to vector<2000x32xf32>
    %mul3A_126 = arith.mulf %mul3A_125, %mul3A_123 : vector<2000x32xf32>
    %add3A_127 = arith.addf %add3A_76, %mul3A_126 : vector<2000x32xf32>
    %slice3A_128 = vector.extract_strided_slice %mul3A_16 {offsets = [1, 0, 0], sizes = [1, 2000, 128], strides = [1, 1, 1]} : vector<2x2000x128xf32> to vector<1x2000x128xf32>
    %squeeze3A_129 = vector.shape_cast %slice3A_128 : vector<1x2000x128xf32> to vector<2000x128xf32>
    %slice3A_130 = vector.extract_strided_slice %squeeze3A_129 {offsets = [0, 0], sizes = [2000, 64], strides = [1, 1]} : vector<2000x128xf32> to vector<2000x64xf32>
    %slice3A_131 = vector.extract_strided_slice %slice3A_130 {offsets = [0, 0], sizes = [2000, 32], strides = [1, 1]} : vector<2000x64xf32> to vector<2000x32xf32>
    %get3A_132 = arith.constant 0 : index
    %get3A_133 = vector.load %arg9[%get3A_132] : memref<32xf32, #tpu.memory_space<vmem>>, vector<32xf32>
    %broadcast_in_dim3A_134 = vector.shape_cast %get3A_133 : vector<32xf32> to vector<1x32xf32>
    %add3A_135 = vector.broadcast %broadcast_in_dim3A_134 : vector<1x32xf32> to vector<2000x32xf32>
    %add3A_136 = arith.addf %slice3A_131, %add3A_135 : vector<2000x32xf32>
    %slice3A_137 = vector.extract_strided_slice %slice3A_130 {offsets = [0, 32], sizes = [2000, 32], strides = [1, 1]} : vector<2000x64xf32> to vector<2000x32xf32>
    %get3A_138 = arith.constant 0 : index
    %get3A_139 = vector.load %arg10[%get3A_138] : memref<32xf32, #tpu.memory_space<vmem>>, vector<32xf32>
    %broadcast_in_dim3A_140 = vector.shape_cast %get3A_139 : vector<32xf32> to vector<1x32xf32>
    %add3A_141 = vector.broadcast %broadcast_in_dim3A_140 : vector<1x32xf32> to vector<2000x32xf32>
    %add3A_142 = arith.addf %slice3A_137, %add3A_141 : vector<2000x32xf32>
    %get3A_143 = arith.constant 0 : index
    %get3A_144 = arith.constant 0 : index
    %get3A_145 = vector.load %arg5[%get3A_143, %get3A_144] : memref<64x32xf32, #tpu.memory_space<vmem>>, vector<32x32xf32>
    %dot_general3A_146 = arith.constant dense<0.000000e+00> : vector<2000x32xf32>
    %dot_general3A_147 = tpu.matmul %add3A_136, %get3A_145, %dot_general3A_146 {dimension_numbers = #tpu.dot_dimension_numbers<[1], [0], [0], [1], [0, 0, 1, 1], [], []>, transpose_lhs_hint = false} : vector<2000x32xf32>, vector<32x32xf32>, vector<2000x32xf32> -> vector<2000x32xf32>
    %get3A_148 = arith.constant 0 : index
    %get3A_149 = vector.load %arg6[%get3A_148] : memref<32xf32, #tpu.memory_space<vmem>>, vector<32xf32>
    %broadcast_in_dim3A_150 = vector.shape_cast %get3A_149 : vector<32xf32> to vector<1x32xf32>
    %add3A_151 = vector.broadcast %broadcast_in_dim3A_150 : vector<1x32xf32> to vector<2000x32xf32>
    %add3A_152 = arith.addf %dot_general3A_147, %add3A_151 : vector<2000x32xf32>
    %logistic3A_153 = arith.negf %add3A_152 : vector<2000x32xf32>
    %logistic3A_154 = math.exp %logistic3A_153 : vector<2000x32xf32>
    %logistic3A_155 = arith.constant 1.000000e+00 : f32
    %logistic3A_156 = vector.broadcast %logistic3A_155 : f32 to vector<2000x32xf32>
    %logistic3A_157 = arith.addf %logistic3A_156, %logistic3A_154 : vector<2000x32xf32>
    %logistic3A_158 = arith.divf %logistic3A_156, %logistic3A_157 : vector<2000x32xf32>
    %get3A_159 = arith.constant 0 : index
    %get3A_160 = arith.constant 0 : index
    %get3A_161 = vector.load %arg7[%get3A_159, %get3A_160] : memref<64x32xf32, #tpu.memory_space<vmem>>, vector<32x32xf32>
    %dot_general3A_162 = arith.constant dense<0.000000e+00> : vector<2000x32xf32>
    %dot_general3A_163 = tpu.matmul %add3A_142, %get3A_161, %dot_general3A_162 {dimension_numbers = #tpu.dot_dimension_numbers<[1], [0], [0], [1], [0, 0, 1, 1], [], []>, transpose_lhs_hint = false} : vector<2000x32xf32>, vector<32x32xf32>, vector<2000x32xf32> -> vector<2000x32xf32>
    %get3A_164 = arith.constant 0 : index
    %get3A_165 = vector.load %arg8[%get3A_164] : memref<32xf32, #tpu.memory_space<vmem>>, vector<32xf32>
    %broadcast_in_dim3A_166 = vector.shape_cast %get3A_165 : vector<32xf32> to vector<1x32xf32>
    %add3A_167 = vector.broadcast %broadcast_in_dim3A_166 : vector<1x32xf32> to vector<2000x32xf32>
    %add3A_168 = arith.addf %dot_general3A_163, %add3A_167 : vector<2000x32xf32>
    %tanh3A_169 = math.tanh %add3A_168 : vector<2000x32xf32>
    %slice3A_170 = vector.extract_strided_slice %div3A_28 {offsets = [2], sizes = [1], strides = [1]} : vector<4xf32> to vector<1xf32>
    %sub3A_171 = arith.constant 1.000000e+00 : f32
    %sub3A_172 = vector.broadcast %sub3A_171 : f32 to vector<2000x32xf32>
    %sub3A_173 = arith.subf %sub3A_172, %logistic3A_158 : vector<2000x32xf32>
    %mul3A_174 = arith.mulf %sub3A_173, %tanh3A_169 : vector<2000x32xf32>
    %broadcast_in_dim3A_175 = vector.shape_cast %slice3A_170 : vector<1xf32> to vector<1x1xf32>
    %mul3A_176 = vector.broadcast %broadcast_in_dim3A_175 : vector<1x1xf32> to vector<2000x32xf32>
    %mul3A_177 = arith.mulf %mul3A_176, %mul3A_174 : vector<2000x32xf32>
    %add3A_178 = arith.addf %add3A_127, %mul3A_177 : vector<2000x32xf32>
    %slice3A_179 = vector.extract_strided_slice %mul3A_16 {offsets = [1, 0, 0], sizes = [1, 2000, 128], strides = [1, 1, 1]} : vector<2x2000x128xf32> to vector<1x2000x128xf32>
    %squeeze3A_180 = vector.shape_cast %slice3A_179 : vector<1x2000x128xf32> to vector<2000x128xf32>
    %slice3A_181 = vector.extract_strided_slice %squeeze3A_180 {offsets = [0, 64], sizes = [2000, 64], strides = [1, 1]} : vector<2000x128xf32> to vector<2000x64xf32>
    %slice3A_182 = vector.extract_strided_slice %slice3A_181 {offsets = [0, 0], sizes = [2000, 32], strides = [1, 1]} : vector<2000x64xf32> to vector<2000x32xf32>
    %get3A_183 = arith.constant 0 : index
    %get3A_184 = vector.load %arg9[%get3A_183] : memref<32xf32, #tpu.memory_space<vmem>>, vector<32xf32>
    %broadcast_in_dim3A_185 = vector.shape_cast %get3A_184 : vector<32xf32> to vector<1x32xf32>
    %add3A_186 = vector.broadcast %broadcast_in_dim3A_185 : vector<1x32xf32> to vector<2000x32xf32>
    %add3A_187 = arith.addf %slice3A_182, %add3A_186 : vector<2000x32xf32>
    %slice3A_188 = vector.extract_strided_slice %slice3A_181 {offsets = [0, 32], sizes = [2000, 32], strides = [1, 1]} : vector<2000x64xf32> to vector<2000x32xf32>
    %get3A_189 = arith.constant 0 : index
    %get3A_190 = vector.load %arg10[%get3A_189] : memref<32xf32, #tpu.memory_space<vmem>>, vector<32xf32>
    %broadcast_in_dim3A_191 = vector.shape_cast %get3A_190 : vector<32xf32> to vector<1x32xf32>
    %add3A_192 = vector.broadcast %broadcast_in_dim3A_191 : vector<1x32xf32> to vector<2000x32xf32>
    %add3A_193 = arith.addf %slice3A_188, %add3A_192 : vector<2000x32xf32>
    %get3A_194 = arith.constant 0 : index
    %get3A_195 = arith.constant 0 : index
    %get3A_196 = vector.load %arg5[%get3A_194, %get3A_195] : memref<64x32xf32, #tpu.memory_space<vmem>>, vector<32x32xf32>
    %dot_general3A_197 = arith.constant dense<0.000000e+00> : vector<2000x32xf32>
    %dot_general3A_198 = tpu.matmul %add3A_187, %get3A_196, %dot_general3A_197 {dimension_numbers = #tpu.dot_dimension_numbers<[1], [0], [0], [1], [0, 0, 1, 1], [], []>, transpose_lhs_hint = false} : vector<2000x32xf32>, vector<32x32xf32>, vector<2000x32xf32> -> vector<2000x32xf32>
    %get3A_199 = arith.constant 0 : index
    %get3A_200 = vector.load %arg6[%get3A_199] : memref<32xf32, #tpu.memory_space<vmem>>, vector<32xf32>
    %broadcast_in_dim3A_201 = vector.shape_cast %get3A_200 : vector<32xf32> to vector<1x32xf32>
    %add3A_202 = vector.broadcast %broadcast_in_dim3A_201 : vector<1x32xf32> to vector<2000x32xf32>
    %add3A_203 = arith.addf %dot_general3A_198, %add3A_202 : vector<2000x32xf32>
    %logistic3A_204 = arith.negf %add3A_203 : vector<2000x32xf32>
    %logistic3A_205 = math.exp %logistic3A_204 : vector<2000x32xf32>
    %logistic3A_206 = arith.constant 1.000000e+00 : f32
    %logistic3A_207 = vector.broadcast %logistic3A_206 : f32 to vector<2000x32xf32>
    %logistic3A_208 = arith.addf %logistic3A_207, %logistic3A_205 : vector<2000x32xf32>
    %logistic3A_209 = arith.divf %logistic3A_207, %logistic3A_208 : vector<2000x32xf32>
    %get3A_210 = arith.constant 0 : index
    %get3A_211 = arith.constant 0 : index
    %get3A_212 = vector.load %arg7[%get3A_210, %get3A_211] : memref<64x32xf32, #tpu.memory_space<vmem>>, vector<32x32xf32>
    %dot_general3A_213 = arith.constant dense<0.000000e+00> : vector<2000x32xf32>
    %dot_general3A_214 = tpu.matmul %add3A_193, %get3A_212, %dot_general3A_213 {dimension_numbers = #tpu.dot_dimension_numbers<[1], [0], [0], [1], [0, 0, 1, 1], [], []>, transpose_lhs_hint = false} : vector<2000x32xf32>, vector<32x32xf32>, vector<2000x32xf32> -> vector<2000x32xf32>
    %get3A_215 = arith.constant 0 : index
    %get3A_216 = vector.load %arg8[%get3A_215] : memref<32xf32, #tpu.memory_space<vmem>>, vector<32xf32>
    %broadcast_in_dim3A_217 = vector.shape_cast %get3A_216 : vector<32xf32> to vector<1x32xf32>
    %add3A_218 = vector.broadcast %broadcast_in_dim3A_217 : vector<1x32xf32> to vector<2000x32xf32>
    %add3A_219 = arith.addf %dot_general3A_214, %add3A_218 : vector<2000x32xf32>
    %tanh3A_220 = math.tanh %add3A_219 : vector<2000x32xf32>
    %slice3A_221 = vector.extract_strided_slice %div3A_28 {offsets = [3], sizes = [1], strides = [1]} : vector<4xf32> to vector<1xf32>
    %sub3A_222 = arith.constant 1.000000e+00 : f32
    %sub3A_223 = vector.broadcast %sub3A_222 : f32 to vector<2000x32xf32>
    %sub3A_224 = arith.subf %sub3A_223, %logistic3A_209 : vector<2000x32xf32>
    %mul3A_225 = arith.mulf %sub3A_224, %tanh3A_220 : vector<2000x32xf32>
    %broadcast_in_dim3A_226 = vector.shape_cast %slice3A_221 : vector<1xf32> to vector<1x1xf32>
    %mul3A_227 = vector.broadcast %broadcast_in_dim3A_226 : vector<1x1xf32> to vector<2000x32xf32>
    %mul3A_228 = arith.mulf %mul3A_227, %mul3A_225 : vector<2000x32xf32>
    %add3A_229 = arith.addf %add3A_178, %mul3A_228 : vector<2000x32xf32>
    %max3A = arith.constant 0.000000e+00 : f32
    %max3A_230 = vector.broadcast %max3A : f32 to vector<2000x32xf32>
    %max3A_231 = arith.maximumf %add3A_229, %max3A_230 : vector<2000x32xf32>
    %get3A_232 = arith.constant 0 : index
    %get3A_233 = arith.constant 0 : index
    %get3A_234 = vector.load %arg12[%get3A_232, %get3A_233] : memref<32x4xf32, #tpu.memory_space<vmem>>, vector<32x4xf32>
    %dot_general3A_235 = arith.constant dense<0.000000e+00> : vector<2000x4xf32>
    %dot_general3A_236 = tpu.matmul %max3A_231, %get3A_234, %dot_general3A_235 {dimension_numbers = #tpu.dot_dimension_numbers<[1], [0], [0], [1], [0, 0, 1, 1], [], []>, transpose_lhs_hint = false} : vector<2000x32xf32>, vector<32x4xf32>, vector<2000x4xf32> -> vector<2000x4xf32>
    %get3A_237 = arith.constant 0 : index
    %get3A_238 = vector.load %arg13[%get3A_237] : memref<4xf32, #tpu.memory_space<vmem>>, vector<4xf32>
    %broadcast_in_dim3A_239 = vector.shape_cast %get3A_238 : vector<4xf32> to vector<1x4xf32>
    %add3A_240 = vector.broadcast %broadcast_in_dim3A_239 : vector<1x4xf32> to vector<2000x4xf32>
    %add3A_241 = arith.addf %dot_general3A_236, %add3A_240 : vector<2000x4xf32>
    %swap3A = arith.constant 0 : index
    %swap3A_242 = arith.constant 0 : index
    %swap3A_243 = arith.constant 0 : index
    %swap3A_244 = vector.load %arg14[%swap3A, %swap3A_242, %swap3A_243] : memref<1x2000x4xf32, #tpu.memory_space<vmem>>, vector<1x2000x4xf32>
    %swap3A_245 = vector.shape_cast %swap3A_244 : vector<1x2000x4xf32> to vector<2000x4xf32>
    %swap3A_246 = vector.shape_cast %add3A_241 : vector<2000x4xf32> to vector<1x2000x4xf32>
    tpu.vector_store %arg14[%swap3A, %swap3A_242, %swap3A_243], %swap3A_246 {strides = array<i32>} : memref<1x2000x4xf32, #tpu.memory_space<vmem>>, vector<1x2000x4xf32>,
    return
  }
  func.func @transform_0(%arg0: i32, %arg1: i32) -> (i32, i32, i32, i32) {
    %c0_i32 = arith.constant 0 : i32
    %c0_i32_0 = arith.constant 0 : i32
    %c0_i32_1 = arith.constant 0 : i32
    return %arg0, %c0_i32, %arg1, %c0_i32_0 : i32, i32, i32, i32
  }
  func.func @transform_1(%arg0: i32, %arg1: i32) -> (i32, i32, i32, i32) {
    %c0_i32 = arith.constant 0 : i32
    %c0_i32_0 = arith.constant 0 : i32
    %c0_i32_1 = arith.constant 0 : i32
    return %arg0, %c0_i32, %arg1, %c0_i32_0 : i32, i32, i32, i32
  }
  func.func @transform_2(%arg0: i32, %arg1: i32) -> (i32, i32, i32) {
    %c0_i32 = arith.constant 0 : i32
    %c0_i32_0 = arith.constant 0 : i32
    %c0_i32_1 = arith.constant 0 : i32
    return %arg1, %c0_i32, %c0_i32_0 : i32, i32, i32
  }
  func.func @transform_3(%arg0: i32, %arg1: i32) -> (i32, i32) {
    %c0_i32 = arith.constant 0 : i32
    %c0_i32_0 = arith.constant 0 : i32
    %c0_i32_1 = arith.constant 0 : i32
    return %c0_i32, %c0_i32_0 : i32, i32
  }
  func.func @transform_4(%arg0: i32, %arg1: i32) -> i32 {
    %c0_i32 = arith.constant 0 : i32
    %c0_i32_0 = arith.constant 0 : i32
    return %c0_i32 : i32
  }
  func.func @transform_5(%arg0: i32, %arg1: i32) -> (i32, i32) {
    %c0_i32 = arith.constant 0 : i32
    %c0_i32_0 = arith.constant 0 : i32
    %c0_i32_1 = arith.constant 0 : i32
    return %c0_i32, %c0_i32_0 : i32, i32
  }
  func.func @transform_6(%arg0: i32, %arg1: i32) -> i32 {
    %c0_i32 = arith.constant 0 : i32
    %c0_i32_0 = arith.constant 0 : i32
    return %c0_i32 : i32
  }
  func.func @transform_7(%arg0: i32, %arg1: i32) -> i32 {
    %c0_i32 = arith.constant 0 : i32
    %c0_i32_0 = arith.constant 0 : i32
    return %c0_i32 : i32
  }
  func.func @transform_8(%arg0: i32, %arg1: i32) -> i32 {
    %c0_i32 = arith.constant 0 : i32
    %c0_i32_0 = arith.constant 0 : i32
    return %c0_i32 : i32
  }
  func.func @transform_9(%arg0: i32, %arg1: i32) -> i32 {
    %c0_i32 = arith.constant 0 : i32
    %c0_i32_0 = arith.constant 0 : i32
    return %c0_i32 : i32
  }
  func.func @transform_10(%arg0: i32, %arg1: i32) -> (i32, i32) {
    %c0_i32 = arith.constant 0 : i32
    %c0_i32_0 = arith.constant 0 : i32
    %c0_i32_1 = arith.constant 0 : i32
    return %c0_i32, %c0_i32_0 : i32, i32
  }
  func.func @transform_11(%arg0: i32, %arg1: i32) -> i32 {
    %c0_i32 = arith.constant 0 : i32
    %c0_i32_0 = arith.constant 0 : i32
    return %c0_i32 : i32
  }
  func.func @transform_12(%arg0: i32, %arg1: i32) -> (i32, i32, i32) {
    %c0_i32 = arith.constant 0 : i32
    %c0_i32_0 = arith.constant 0 : i32
    return %arg0, %arg1, %c0_i32 : i32, i32, i32
  }
}

</mosaic_0001>

<sc_bundles>
// kernel: kernel.6.cloned.1.call-start
scs
__scs_entry_jumppad:
0x0: {  	(pc) =	sbr.rel $0x88, $3  }
0x1: {  	(tag) =	ssettag $0x0;
	lr =	simm.s32 $0x1  }
0x2: {  	[smem:$0x3F94] =	sst lr;
	_ =	strace $0xD0000000  }
0x3: {  	_ = 	snop  }
0x4: {  	_ = 	snop  }
0x5: {  	_ = 	snop  }
0x6: {  	_ = 	snop  }
0x7: {  	_ = 	snop  }
__scs_overlays_trampoline_lowered:
0x8: {  	[smem:$0x3FA3] =	sst s0  }
0x9: {  	[smem:$0x3FA4] =	sst s1  }
0xa: {  	[smem:$0x3FA5] =	sst s2  }
0xb: {  	[smem:$0x3FA6] =	sst s3  }
0xc: {  	[smem:$0x3FA7] =	sst s4  }
0xd: {  	[smem:$0x3FA8] =	sst s5  }
0xe: {  	[smem:$0x3FA9] =	sst s6  }
0xf: {  	[smem:$0x3FAA] =	sst s7  }
0x10: {  	[smem:$0x3FAB] =	sst s8  }
0x11: {  	[smem:$0x3FAC] =	sst s9;
	s0 =	simm.s32 @!p0 $0x0  }
0x12: {  	s1 =	sld [smem:$0x3F92];
	s0 =	simm.s32 @p0 $0x1  }
0x13: {  	[smem:$0x3FAD] =	sst s0;
	s0 =	simm.s32 @!p1 $0x0  }
0x14: {  	s2 =	sld [smem:$0x3F91];
	s0 =	simm.s32 @p1 $0x1  }
0x15: {  	[smem:$0x3FAE] =	sst s0;
	s0 =	simm.s32 @!p2 $0x0  }
0x16: {  	s3 =	sld [smem:$0x3FDB];
	s0 =	simm.s32 @p2 $0x1  }
0x17: {  	s4 =	simm.s32 $0x1BF5;
	[smem:$0x3FB0] =	sst s0  }
0x18: {  	s0 =	sld [smem:$0x3F93];
	_ =	swait.ge [sflag:s4], $0x0  }
0x19: {  	s7 =	sld [smem:$0x3F94]  }
0x1a: {  	s8 =	sadd.s32 $0xFFFFE003, lr  }
0x1b: {  	s9 =	sadd.s32 $0xFFFFFEF7, lr;
	s5 =	simm.s32 $0xFFFFFFFF;
	p2 =	slt.u32 s8, $0xFFFFF086  }
0x1c: {  	p1 =	slt.u32 s9, $0xF7A;
	s5 =	simm.s32 @!p2 $0x0  }
0x1d: {  	s5 =	simm.s32 @p1 $0x1;
	p0 =	seq.s32 s7, s2  }
0x1e: {  	s7 =	smul.u32 @!p0 $0xF7A, s2;
	p2 =	seq.s32 @!p0 s5, $0x0  }
0x1f: {  	s9 =	smul.u32 $0xF7A, s1;
	s8 =	simm.s32 @!p0 $0x1BF5;
	p2 =	por !p2, p0  }
0x20: {  	[sflag:s8] =	ssyncset.s32 @!p0 $0xFFFFF086;
	s6 =	sadd.s32 @!p0 s3, s7;
	s7 =	simm.s32 @!p0 $0x108  }
0x21: {  	s3 =	sadd.s32 s3, s9;
	s6 =	sadd.s32 @!p0 $0x88, s6;
	s7 =	simm.s32 @p2 $0x1082  }
0x22: {  	[simem:s7], [sflag:s8] =	dma.local @!p0 [hbm:s6], $0xF7A  }
0x23: {  	s9 =	sor.u32 $0xD0000000, s2;
	s6 =	simm.s32 $0x108;
	_ =	swait.ge @!p0 [sflag:s8], $0x0  }
0x24: {  	s3 =	sadd.s32 $0x88, s3;
	s6 =	simm.s32 @!p1 $0x1082;
	[sflag:s4] =	ssyncset.s32 $0xFFFFF086  }
0x25: {  	[simem:s6], [sflag:s4] =	dma.local [hbm:s3], $0xF7A  }
0x26: {  	[smem:$0x3F94] =	sst s1;
	(tag) =	ssettag s2;
	_ =	strace s9  }
0x27: {  	s1 =	sld [smem:$0x3FA4]  }
0x28: {  	s2 =	sld [smem:$0x3FA5]  }
0x29: {  	s4 =	sld [smem:$0x3FA7]  }
0x2a: {  	p0 =	seq.s32 s5, $0x0;
	s5 =	sld [smem:$0x3FA8]  }
0x2b: {  	s6 =	sld [smem:$0x3FA9]  }
0x2c: {  	s7 =	sld [smem:$0x3FAA]  }
0x2d: {  	s3 =	simm.s32 $0x108;
	s8 =	sld [smem:$0x3FAB]  }
0x2e: {  	s3 =	simm.s32 @!p0 $0x1082;
	s9 =	sld [smem:$0x3FAC]  }
0x2f: {  	lr =	sadd.s32 s0, s3;
	s0 =	sld [smem:$0x3FA3]  }
0x30: {  	s3 =	sld [smem:$0x3FA6]  }
0x31: {  	[smem:$0x3FAF] =	sst s10  }
0x32: {  	s10 =	sld [smem:$0x3FAD];
	_ =	sdelay $0x3  }
0x33: {  	p0 =	seq.s32 s10, $0x1;
	s10 =	sld [smem:$0x3FAF];
	_ =	sdelay $0x3  }
0x34: {  	[smem:$0x3FAF] =	sst s10  }
0x35: {  	s10 =	sld [smem:$0x3FAE];
	_ =	sdelay $0x3  }
0x36: {  	p1 =	seq.s32 s10, $0x1;
	s10 =	sld [smem:$0x3FAF];
	_ =	sdelay $0x3  }
0x37: {  	[smem:$0x3FAF] =	sst s10  }
0x38: {  	s10 =	sld [smem:$0x3FB0]  }
0x39: {  	_ = 	snop;
	(pc) =	sbr.ind lr, $3  }
0x3a: {  	_ = 	snop  }
0x3b: {  	_ = 	snop  }
0x3c: {  	p2 =	seq.s32 s10, $0x1;
	s10 =	sld [smem:$0x3FAF]  }
0x3d: {  	_ =	shalt  }
0x3e: {  	_ =	shalt  }
0x3f: {  	_ =	shalt  }
0x40: {  	_ =	shalt  }
0x41: {  	_ =	shalt  }
0x42: {  	_ =	shalt  }
0x43: {  	_ =	shalt  }
0x44: {  	_ =	shalt  }
0x45: {  	_ =	shalt  }
0x46: {  	_ =	shalt  }
0x47: {  	_ =	shalt  }
0x48: {  	_ =	shalt  }
0x49: {  	_ =	shalt  }
0x4a: {  	_ =	shalt  }
0x4b: {  	_ =	shalt  }
0x4c: {  	_ =	shalt  }
0x4d: {  	_ =	shalt  }
0x4e: {  	_ =	shalt  }
0x4f: {  	_ =	shalt  }
0x50: {  	_ =	shalt  }
0x51: {  	_ =	shalt  }
0x52: {  	_ =	shalt  }
0x53: {  	_ =	shalt  }
0x54: {  	_ =	shalt  }
0x55: {  	_ =	shalt  }
0x56: {  	_ =	shalt  }
0x57: {  	_ =	shalt  }
0x58: {  	_ =	shalt  }
0x59: {  	_ =	shalt  }
0x5a: {  	_ =	shalt  }
0x5b: {  	_ =	shalt  }
0x5c: {  	_ =	shalt  }
0x5d: {  	_ =	shalt  }
0x5e: {  	_ =	shalt  }
0x5f: {  	_ =	shalt  }
0x60: {  	_ =	shalt  }
0x61: {  	_ =	shalt  }
0x62: {  	_ =	shalt  }
0x63: {  	_ =	shalt  }
0x64: {  	_ =	shalt  }
0x65: {  	_ =	shalt  }
0x66: {  	_ =	shalt  }
0x67: {  	_ =	shalt  }
0x68: {  	_ =	shalt  }
0x69: {  	_ =	shalt  }
0x6a: {  	_ =	shalt  }
0x6b: {  	_ =	shalt  }
0x6c: {  	_ =	shalt  }
0x6d: {  	_ =	shalt  }
0x6e: {  	_ =	shalt  }
0x6f: {  	_ =	shalt  }
0x70: {  	_ =	shalt  }
0x71: {  	_ =	shalt  }
0x72: {  	_ =	shalt  }
0x73: {  	_ =	shalt  }
0x74: {  	_ =	shalt  }
0x75: {  	_ =	shalt  }
0x76: {  	_ =	shalt  }
0x77: {  	_ =	shalt  }
0x78: {  	_ =	shalt  }
0x79: {  	_ =	shalt  }
0x7a: {  	_ =	shalt  }
0x7b: {  	_ =	shalt  }
0x7c: {  	_ =	shalt  }
0x7d: {  	_ =	shalt  }
0x7e: {  	_ =	shalt  }
0x7f: {  	_ =	shalt  }
0x80: {  	_ =	shalt  }
0x81: {  	_ =	shalt  }
0x82: {  	_ =	shalt  }
0x83: {  	_ =	shalt  }
0x84: {  	_ =	shalt  }
0x85: {  	_ =	shalt  }
0x86: {  	_ =	shalt  }
0x87: {  	_ =	shalt  }
.Lfunc_end0:
.L_simem_size_0:
called_computation_lowered:
.L_overlay_start_0:
0x88: {  	s2 =	sld [smem:$0x3FD9]  }
0x89: {  	s3 =	sld [smem:$0x3FFE];
	_ =	sdelay $0x1  }
0x8a: {  	s1 =	srdreg.scid  }
0x8b: {  	s0 =	sand.u32 $0x1, s1  }
0x8c: {  	s16 =	sshll.u32 s0, $0xA;
	s2 =	sadd.s32 s3, s2  }
0x8d: {  	s2 =	sadd.s32 s2, s16  }
0x8e: {  	[smem:$0x3FBB] =	sst s2  }
0x8f: {  	_ = 	snop  }
0x90: {  	(tm) =	ssettm $0x1  }
0x91: {  	s17 =	sld [smem:$0x3FFB];
	_ =	sdelay $0x3  }
0x92: {  	_ =	strace s17  }
0x93: {  	s2 =	sld [smem:$0x3FFC];
	_ =	sdelay $0x3  }
0x94: {  	_ =	strace s2  }
0x95: {  	s2 =	sld [smem:$0x3FFD];
	_ =	sdelay $0x3  }
0x96: {  	_ =	strace s2  }
0x97: {  	_ =	strace $0x8FFFFFFF  }
0x98: {  	s18 =	sld [smem:$0x3FDB];
	_ =	sdelay $0x1  }
0x99: {  	s19 =	simm.s32 $_scs_section_size  }
0x9a: {  	s4 =	simm.s32 $_size__tile_overlayer_lowered;
	s5 =	simm.s32 $_tile_overlayer_lowered  }
0x9b: {  	s22 =	simm.s32 $0x1BFF;
	s21 =	sshll.u32 s5, $0x1;
	s2 =	sadd.s32 s19, s18  }
0x9c: {  	s6 =	simm.s32 $0x0;
	s20 =	sshll.u32 s4, $0x1;
	s4 =	sadd.s32 s21, s2  }
0x9d: {  	[timem:s6], [sflag:s22] =	dma.local [hbm:s4], s20  }
0x9e: {  	_ =	swait.ge [sflag:s22], s20  }
0x9f: {  	s3 =	ssub.s32 $0x0, s20;
	[sflag:s22] =	ssyncset.done $0x0  }
0xa0: {  	[sflag:s22] =	ssyncadd.s32 s3;
	_ =	sdelay $0x1  }
0xa1: {  	s23 =	simm.s32 $0x1B8B  }
0xa2: {  	_ =	swait.ge [sflag:s23], $0x1  }
0xa3: {  	[sflag:s23] =	ssyncset.done $0x0  }
0xa4: {  	s25 =	simm.s32 $0x1B8E;
	s24 =	sld [smem:$0x3FFE];
	[sflag:s23] =	ssyncadd.s32 $0xFFFFFFFF  }
0xa5: {  	s26 =	simm.s32 $execute0_lowered;
	[smem:$0x3FD2] =	sst s25  }
0xa6: {  	s4 =	sshll.u32 s26, $0x1;
	_ =	strace $0x80000046;
	[dreg:$0x1] =	wrdreg $0xFFFFFFFF  }
0xa7: {  	s28 =	simm.s32 $_size_execute0_lowered;
	s2 =	sadd.s32 s2, s4;
	[dreg:$0x0] =	wrdreg $0x0  }
0xa8: {  	s4 =	sshll.u32 s28, $0x1;
	[dreg:$0x2] =	wrdreg s2  }
0xa9: {  	[dreg:$0x3] =	wrdreg s4  }
0xaa: {  	[dreg:$0x4] =	wrdreg $0xC0  }
0xab: {  	_ =	task [dreg:s6], $0x5FFFF  }
0xac: {  	[dreg:$0x1] =	wrdreg $0xFFFFFFFF  }
0xad: {  	[dreg:$0x0] =	wrdreg $0x60  }
0xae: {  	[dreg:$0x2] =	wrdreg s24  }
0xaf: {  	[dreg:$0x3] =	wrdreg $0x70000  }
0xb0: {  	[dreg:$0x4] =	wrdreg $0x9  }
0xb1: {  	_ =	task.clear_ibuf [dreg:s6], $0x5FFFF;
	_ =	strace $0x90000046  }
0xb2: {  	s29 =	simm.s32 $0x9;
	_ =	strace $0x80000048  }
0xb3: {  	_ =	swait.ge [sflag:s29], $0x1  }
0xb4: {  	[sflag:s29] =	ssyncadd.s32 $0xFFFFFFFF  }
0xb5: {  	_ =	strace $0x90000048  }
0xb6: {  	_ =	sfence  }
0xb7: {  	s30 =	sld [smem:$0x0];
	_ =	sdelay $0x2  }
0xb8: {  	s31 =	sshll.u32 s1, $0xD;
	s1 =	sshrl.u32 s1, $0x2  }
0xb9: {  	s3 =	sand.u32 $0x4000, s31;
	s1 =	sadd.s32 s1, s30  }
0xba: {  	s0 =	sor.u32 s3, s0;
	s1 =	sshll.u32 s1, $0x11  }
0xbb: {  	s0 =	sor.u32 s1, s0  }
0xbc: {  	s0 =	sadd.s32 $0x8F2B, s0  }
0xbd: {  	[sflag:s0] =	ssyncadd.remote.s32 $0x1  }
0xbe: {  	_ =	sfence.sel $0xFFFF  }
0xbf: {  	[dreg:$0x0] =	wrdreg $0xFFFFFFFF;
	(pc) =	sbr.abs _section_cstart, $3  }
0xc0: {  	[dreg:$0x1] =	wrdreg $0xFFFFFFFF  }
0xc1: {  	_ =	task.clear_ibuf [dreg:s6], $0x2FFFF;
	_ =	strace $0x9FFFFFFF  }
0xc2: {  	(tm) =	ssettm $0x7FFFFFFF  }
0xc3: {  	_ =	shalt  }
tec
execute0_lowered:
.L_overlay_start_1:
0x0: {  	(tag) =	ssettag $0x1  }
0x1: {  	s0 =	rddreg [dreg:$0x0]  }
0x2: {  	s1 =	rddreg [dreg:$0x1];
	s2 =	simm.s32 $0x0;
	s3 =	srdreg.scid  }
0x3: {  	s10 =	stileid.u32;
	s28 =	simm.s32 $0x50;
	s29 =	simm.s32 $0x2000  }
0x4: {  	s30 =	simm.s32 $0x0;
	s31 =	simm.s32 $0x0;
	[smem:$0x7FF] =	sst s2  }
0x5: {  	s3 =	sand.u32 $0x1, s3;
	s4 =	sadd.s32 $0x1E00, s0;
	s7 =	smul.u32 $0x50000, s10  }
0x6: {  	s5 =	sadd.s32 $0x15E00, s0;
	s0 =	sadd.s32 $0x29E00, s0;
	s15 =	smul.u32 $0x14000, s10  }
0x7: {  	_ =	strace $0x80000047;
	s6 =	sshll.u32 s3, $0x4;
	s8 =	ssub.s32 $0x2, s3  }
0x8: {  	s3 =	smul.u32 $0x140000, s3;
	s6 =	sor.u32 s10, s6;
	s9 =	sshrl.u32 s8, $0x1  }
0x9: {  	s7 =	sshrl.u32 s7, $0x2;
	s26 =	sor.u32 $0x2800, s15;
	s16 =	sadd.s32 $0x5000, s15  }
0xa: {  	s17 =	sadd.s32 $0x7800, s15;
	s18 =	sadd.s32 $0xA000, s15;
	s21 =	sadd.s32 $0xC800, s15  }
0xb: {  	s22 =	sadd.s32 $0xF000, s15;
	s23 =	sadd.s32 $0x11800, s15;
	s6 =	smul.u32 $0x5000, s6  }
0xc: {  	s8 =	ssub.s32 s8, s9;
	s7 =	sadd.s32 s7, s1;
	s9 =	sadd.s32 s26, s1  }
0xd: {  	s10 =	sadd.s32 s16, s1;
	s11 =	sadd.s32 s17, s1;
	s12 =	sadd.s32 s18, s1  }
0xe: {  	s13 =	sadd.s32 s21, s1;
	s14 =	sadd.s32 s22, s1;
	s19 =	sadd.s32 s3, s15  }
0xf: {  	s15 =	sadd.s32 s23, s1;
	s16 =	sadd.s32 s3, s16;
	s20 =	sadd.s32 s3, s18  }
0x10: {  	s25 =	sadd.s32 s3, s21;
	s8 =	smax.u32 s8, $0x1;
	s19 =	sshrl.u32 s19, $0x3  }
0x11: {  	[dreg:$0x3] =	wrdreg s8;
	s8 =	sadd.s32 s3, s26;
	s19 =	sadd.s32 s0, s19  }
0x12: {  	s26 =	sadd.s32 s3, s22;
	s8 =	sshrl.u32 s8, $0x3;
	[dreg:$0x4] =	wrdreg s19  }
0x13: {  	s19 =	sadd.s32 s3, s17;
	s17 =	sshrl.u32 s20, $0x3;
	s3 =	sadd.s32 s3, s23  }
0x14: {  	s8 =	sadd.s32 s0, s8;
	s20 =	sadd.s32 s0, s17;
	s3 =	sshrl.u32 s3, $0x3  }
0x15: {  	[dreg:$0x5] =	wrdreg s8;
	s8 =	sshrl.u32 s16, $0x3;
	s16 =	sshrl.u32 s19, $0x3  }
0x16: {  	s23 =	sadd.s32 s0, s3;
	s8 =	sadd.s32 s0, s8;
	s24 =	sadd.s32 s0, s16  }
0x17: {  	s16 =	sshrl.u32 s26, $0x3;
	s26 =	simm.s32 $0x1000;
	[dreg:$0x6] =	wrdreg s8  }
0x18: {  	[dreg:$0x7] =	wrdreg s24;
	s8 =	sshrl.u32 s25, $0x3;
	s22 =	sadd.s32 s0, s16  }
0x19: {  	v0 =	vimm.f32 $1.000000000e+00;
	v1 =	vimm.f32 $0.0e+00;
	s24 =	simm.s32 $0x4800;
	s25 =	simm.s32 $0x1;
	s21 =	sadd.s32 s0, s8  }
.LBB2_1:
0x1a: {  	s0 =	sand.u32 $0x3F80, s2;
	s3 =	sand.u32 $0x10, s2  }
0x1b: {  	s3 =	sor.u32 s3, s0  }
0x1c: {  	[tilespmem:s3+$0x4800] =	vst v1  }
0x1d: {  	s0 =	simm.s32 $0x40;
	[tilespmem:s3+$0x2000] =	vst v0;
	s3 =	simm.s32 $0x0  }
.LBB2_2:
0x1e: {  	p0 =	sne.s32 s0, $0x27C0  }
.Ltmp0:
0x1f: {  	s8 =	sand.u32 $0x3F80, s0;
	s3 =	sadd.s32 $0x10, s3;
	(pc) =	sbr.rel @p0 .LBB2_2-.Ltmp0, $4  }
0x20: {  	s0 =	sadd.s32 $0x40, s0;
	s16 =	sand.u32 $0x10, s3  }
0x21: {  	s8 =	sor.u32 s16, s8  }
0x22: {  	[tilespmem:s8+$0x4800] =	vst v1  }
0x23: {  	[tilespmem:s8+$0x2000] =	vst v0  }
0x24: {  	[spmem:s7] =	stream.linear.scatter [tilespmem:s24], [sflag:$0x1], $0x2800, $0x38;
	[tilespmem:$0xC000] =	vst v63  }
0x25: {  	_ =	swait.ge [sflag:s25], $0x2800  }
0x26: {  	[sflag:s25] =	ssyncset.done $0x0  }
0x27: {  	[sflag:s25] =	ssyncadd.s32 $0xFFFFD800  }
0x28: {  	[spmem:s9] =	stream.linear.scatter [tilespmem:s24], [sflag:$0x1], $0x2800, $0x38;
	[tilespmem:$0xC000] =	vst v63  }
0x29: {  	_ =	swait.ge [sflag:s25], $0x2800  }
0x2a: {  	[sflag:s25] =	ssyncset.done $0x0  }
0x2b: {  	[sflag:s25] =	ssyncadd.s32 $0xFFFFD800  }
0x2c: {  	[spmem:s10] =	stream.linear.scatter [tilespmem:s24], [sflag:$0x1], $0x2800, $0x38;
	[tilespmem:$0xC000] =	vst v63  }
0x2d: {  	_ =	swait.ge [sflag:s25], $0x2800  }
0x2e: {  	[sflag:s25] =	ssyncset.done $0x0  }
0x2f: {  	[sflag:s25] =	ssyncadd.s32 $0xFFFFD800  }
0x30: {  	[spmem:s11] =	stream.linear.scatter [tilespmem:s24], [sflag:$0x1], $0x2800, $0x38;
	[tilespmem:$0xC000] =	vst v63  }
0x31: {  	_ =	swait.ge [sflag:s25], $0x2800  }
0x32: {  	[sflag:s25] =	ssyncset.done $0x0  }
0x33: {  	[sflag:s25] =	ssyncadd.s32 $0xFFFFD800  }
0x34: {  	[spmem:s12] =	stream.linear.scatter [tilespmem:s24], [sflag:$0x1], $0x2800, $0x38;
	[tilespmem:$0xC000] =	vst v63  }
0x35: {  	_ =	swait.ge [sflag:s25], $0x2800  }
0x36: {  	[sflag:s25] =	ssyncset.done $0x0  }
0x37: {  	[sflag:s25] =	ssyncadd.s32 $0xFFFFD800  }
0x38: {  	[spmem:s13] =	stream.linear.scatter [tilespmem:s24], [sflag:$0x1], $0x2800, $0x38;
	[tilespmem:$0xC000] =	vst v63  }
0x39: {  	_ =	swait.ge [sflag:s25], $0x2800  }
0x3a: {  	[sflag:s25] =	ssyncset.done $0x0  }
0x3b: {  	[sflag:s25] =	ssyncadd.s32 $0xFFFFD800  }
0x3c: {  	[spmem:s14] =	stream.linear.scatter [tilespmem:s24], [sflag:$0x1], $0x2800, $0x38;
	[tilespmem:$0xC000] =	vst v63  }
0x3d: {  	_ =	swait.ge [sflag:s25], $0x2800  }
0x3e: {  	[sflag:s25] =	ssyncset.done $0x0  }
0x3f: {  	[sflag:s25] =	ssyncadd.s32 $0xFFFFD800  }
0x40: {  	[spmem:s15] =	stream.linear.scatter [tilespmem:s24], [sflag:$0x1], $0x2800, $0x38;
	[tilespmem:$0xC000] =	vst v63  }
0x41: {  	_ =	swait.ge [sflag:s25], $0x2800  }
0x42: {  	[sflag:s25] =	ssyncset.done $0x0  }
0x43: {  	[sflag:s25] =	ssyncadd.s32 $0xFFFFD800  }
0x44: {  	s0 =	simm.s32 $0x0;
	[bflag:$0x0] =	sbarrier.arrive $0xFFFF  }
.LBB2_4:
0x45: {  	s3 =	sshll.u32 s0, $0xC  }
0x46: {  	s17 =	smul.u32 $0xCD, s31;
	s3 =	sadd.s32 s6, s3  }
0x47: {  	s3 =	sshrl.u32 s3, $0x3  }
0x48: {  	s16 =	sshrl.u32 s17, $0xA;
	s8 =	sadd.s32 s4, s3  }
0x49: {  	[tilespmem:s31], [sflag:$0x1] =	stream.linear.gather [hbm4b:s8+s31], $0xC80, $0x38;
	[tilespmem:$0xC000] =	vst v63  }
0x4a: {  	s16 =	smul.u32 $0x5, s16;
	_ =	swait.ge [sflag:s25], $0xC80  }
0x4b: {  	s3 =	sadd.s32 s5, s3;
	[sflag:s25] =	ssyncset.done $0x0  }
0x4c: {  	s8 =	sshrl.u32 s17, $0x3;
	s18 =	ssub.s32 $0x0, s16;
	[sflag:s25] =	ssyncadd.s32 $0xFFFFF380  }
0x4d: {  	[tilespmem:s26], [sflag:$0x1] =	stream.linear.gather [hbm4b:s3+s31], $0xC80, $0x38;
	[tilespmem:$0xC000] =	vst v63  }
0x4e: {  	s19 =	sand.u32 $0x1F80, s8;
	s3 =	sshll.u32 s18, $0x4;
	_ =	swait.ge [sflag:s25], $0xC80  }
0x4f: {  	s8 =	simm.s32 $0x1;
	s3 =	sand.u32 $0xF0, s3;
	[sflag:s25] =	ssyncset.done $0x0  }
0x50: {  	s16 =	smul.u32 $0xCD, s8;
	s3 =	sor.u32 s3, s19;
	[sflag:s25] =	ssyncadd.s32 $0xFFFFF380  }
0x51: {  	s17 =	simm.s32 $0x2;
	v2 =	vld [tilespmem:s3+$0x0]  }
.LBB2_5:
0x52: {  	p0 =	sne.s32 s17, $0x7C;
	s18 =	sshrl.u32 s16, $0xA;
	v3 =	vld [tilespmem:s3+$0x1000]  }
0x53: {  	s18 =	smul.u32 $0x5, s18;
	_ =	sdelay $0x1  }
.Ltmp1:
0x54: {  	s18 =	ssub.s32 s8, s18;
	s8 =	smov.u32 s17;
	(pc) =	sbr.rel @p0 .LBB2_5-.Ltmp1, $4  }
0x55: {  	s16 =	sshrl.u32 s16, $0x3;
	s18 =	sshll.u32 s18, $0x4  }
0x56: {  	s19 =	sand.u32 $0x1F80, s16;
	s18 =	sand.u32 $0xF0, s18;
	vm0 =	veq.s32 v2, v3  }
0x57: {  	s16 =	smul.u32 $0xCD, s17;
	s18 =	sor.u32 s18, s19;
	v3 =	vsel vm0, $0x2710, v3  }
0x58: {  	s17 =	sadd.s32 $0x1, s17;
	v2 =	vld [tilespmem:s18+$0x0];
	[tilespmem:s3+$0x1000] =	vst v3;
	s3 =	smov.u32 s18  }
0x59: {  	s17 =	sshrl.u32 s16, $0xA;
	v3 =	vld [tilespmem:s3+$0x1000]  }
0x5a: {  	s17 =	smul.u32 $0x5, s17;
	_ =	sdelay $0x1  }
0x5b: {  	s8 =	ssub.s32 s8, s17  }
0x5c: {  	s18 =	sshrl.u32 s16, $0x3;
	s8 =	sshll.u32 s8, $0x4  }
0x5d: {  	s16 =	sand.u32 $0x1F80, s18;
	s8 =	sand.u32 $0xF0, s8;
	vm0 =	veq.s32 v2, v3  }
0x5e: {  	s8 =	sor.u32 s8, s16;
	v2 =	vsel vm0, $0x2710, v3  }
0x5f: {  	v3 =	vld [tilespmem:s8+$0x0];
	[tilespmem:s3+$0x1000] =	vst v2  }
0x60: {  	v2 =	vld [tilespmem:s8+$0x1000];
	_ =	sdelay $0x4  }
0x61: {  	vm15 =	veq.s32 v3, v2  }
0x62: {  	v2 =	vsel vm15, $0x2710, v2  }
0x63: {  	s19 =	simm.s32 $0x1000;
	[tilespmem:s8+$0x1000] =	vst v2  }
0x64: {  	[spmem:s1] =	stream.indirect.scatter.add.f32 [tilespmem:s29], [sflag:$0x1], $0x20, s19, s28, $0xb8;
	[tilespmem:$0xC000] =	vst v63  }
0x65: {  	s3 =	simm.s32 $0x200;
	_ =	swait.ge [sflag:s25], $0xA00  }
.LBB2_7:
0x66: {  	s8 =	sshra.s32 s3, $0x2;
	[sflag:s25] =	ssyncset.done $0x0;
	p0 =	sne.s32 s3, $0x3000  }
.Ltmp2:
0x67: {  	s8 =	sadd.s32 $0x1000, s8;
	[sflag:s25] =	ssyncadd.s32 $0xFFFFF600;
	(pc) =	sbr.rel @p0 .LBB2_7-.Ltmp2, $3  }
0x68: {  	[spmem:s1] =	stream.indirect.scatter.add.f32 [tilespmem:s29], [sflag:$0x1], $0x20, s8, s28, $0xb8;
	[tilespmem:$0xC000] =	vst v63  }
0x69: {  	s3 =	sadd.s32 $0x200, s3;
	_ =	sdelay $0x1  }
0x6a: {  	_ =	swait.ge [sflag:s25], $0xA00  }
0x6b: {  	s0 =	sadd.s32 $0x1, s0  }
0x6c: {  	p0 =	sne.s32 s0, $0x5  }
.Ltmp3:
0x6d: {  	_ = 	snop;
	(pc) =	sbr.rel @p0 .LBB2_4-.Ltmp3, $3  }
0x6e: {  	_ =	sdelay $0x1  }
0x6f: {  	[sflag:s25] =	ssyncset.done $0x0  }
0x70: {  	[sflag:s25] =	ssyncadd.s32 $0xFFFFF600  }
0x71: {  	[bflag:$0x0] =	sbarrier.arrive $0xFFFF  }
0x72: {  	[tilespmem:s24], [sflag:$0x1] =	stream.linear.gather [spmem:s7], $0x2800, $0x38;
	[tilespmem:$0xC000] =	vst v63  }
0x73: {  	_ =	swait.ge [sflag:s25], $0x2800  }
0x74: {  	[sflag:s25] =	ssyncset.done $0x0  }
0x75: {  	s0 =	rddreg [dreg:$0x4];
	[sflag:s25] =	ssyncadd.s32 $0xFFFFD800  }
0x76: {  	[hbm4b:s0+s2] =	stream.linear.scatter [tilespmem:s24], [sflag:$0x1], $0x2800, $0x38;
	[tilespmem:$0xC000] =	vst v63  }
0x77: {  	_ =	swait.ge [sflag:s25], $0x2800  }
0x78: {  	[sflag:s25] =	ssyncset.done $0x0  }
0x79: {  	[sflag:s25] =	ssyncadd.s32 $0xFFFFD800  }
0x7a: {  	[tilespmem:s24], [sflag:$0x1] =	stream.linear.gather [spmem:s9], $0x2800, $0x38;
	[tilespmem:$0xC000] =	vst v63  }
0x7b: {  	_ =	swait.ge [sflag:s25], $0x2800  }
0x7c: {  	[sflag:s25] =	ssyncset.done $0x0  }
0x7d: {  	s16 =	rddreg [dreg:$0x5];
	[sflag:s25] =	ssyncadd.s32 $0xFFFFD800  }
0x7e: {  	[hbm4b:s16+s2] =	stream.linear.scatter [tilespmem:s24], [sflag:$0x1], $0x2800, $0x38;
	[tilespmem:$0xC000] =	vst v63  }
0x7f: {  	_ =	swait.ge [sflag:s25], $0x2800  }
0x80: {  	[sflag:s25] =	ssyncset.done $0x0  }
0x81: {  	[sflag:s25] =	ssyncadd.s32 $0xFFFFD800  }
0x82: {  	[tilespmem:s24], [sflag:$0x1] =	stream.linear.gather [spmem:s10], $0x2800, $0x38;
	[tilespmem:$0xC000] =	vst v63  }
0x83: {  	_ =	swait.ge [sflag:s25], $0x2800  }
0x84: {  	[sflag:s25] =	ssyncset.done $0x0  }
0x85: {  	s17 =	rddreg [dreg:$0x6];
	[sflag:s25] =	ssyncadd.s32 $0xFFFFD800  }
0x86: {  	[hbm4b:s17+s2] =	stream.linear.scatter [tilespmem:s24], [sflag:$0x1], $0x2800, $0x38;
	[tilespmem:$0xC000] =	vst v63  }
0x87: {  	_ =	swait.ge [sflag:s25], $0x2800  }
0x88: {  	[sflag:s25] =	ssyncset.done $0x0  }
0x89: {  	[sflag:s25] =	ssyncadd.s32 $0xFFFFD800  }
0x8a: {  	[tilespmem:s24], [sflag:$0x1] =	stream.linear.gather [spmem:s11], $0x2800, $0x38;
	[tilespmem:$0xC000] =	vst v63  }
0x8b: {  	_ =	swait.ge [sflag:s25], $0x2800  }
0x8c: {  	[sflag:s25] =	ssyncset.done $0x0  }
0x8d: {  	s18 =	rddreg [dreg:$0x7];
	[sflag:s25] =	ssyncadd.s32 $0xFFFFD800  }
0x8e: {  	[hbm4b:s18+s2] =	stream.linear.scatter [tilespmem:s24], [sflag:$0x1], $0x2800, $0x38;
	[tilespmem:$0xC000] =	vst v63  }
0x8f: {  	_ =	swait.ge [sflag:s25], $0x2800  }
0x90: {  	[sflag:s25] =	ssyncset.done $0x0  }
0x91: {  	[sflag:s25] =	ssyncadd.s32 $0xFFFFD800  }
0x92: {  	[tilespmem:s24], [sflag:$0x1] =	stream.linear.gather [spmem:s12], $0x2800, $0x38;
	[tilespmem:$0xC000] =	vst v63  }
0x93: {  	_ =	swait.ge [sflag:s25], $0x2800  }
0x94: {  	[sflag:s25] =	ssyncset.done $0x0  }
0x95: {  	[sflag:s25] =	ssyncadd.s32 $0xFFFFD800  }
0x96: {  	[hbm4b:s20+s2] =	stream.linear.scatter [tilespmem:s24], [sflag:$0x1], $0x2800, $0x38;
	[tilespmem:$0xC000] =	vst v63  }
0x97: {  	_ =	swait.ge [sflag:s25], $0x2800  }
0x98: {  	[sflag:s25] =	ssyncset.done $0x0  }
0x99: {  	[sflag:s25] =	ssyncadd.s32 $0xFFFFD800  }
0x9a: {  	[tilespmem:s24], [sflag:$0x1] =	stream.linear.gather [spmem:s13], $0x2800, $0x38;
	[tilespmem:$0xC000] =	vst v63  }
0x9b: {  	_ =	swait.ge [sflag:s25], $0x2800  }
0x9c: {  	[sflag:s25] =	ssyncset.done $0x0  }
0x9d: {  	[sflag:s25] =	ssyncadd.s32 $0xFFFFD800  }
0x9e: {  	[hbm4b:s21+s2] =	stream.linear.scatter [tilespmem:s24], [sflag:$0x1], $0x2800, $0x38;
	[tilespmem:$0xC000] =	vst v63  }
0x9f: {  	_ =	swait.ge [sflag:s25], $0x2800  }
0xa0: {  	[sflag:s25] =	ssyncset.done $0x0  }
0xa1: {  	[sflag:s25] =	ssyncadd.s32 $0xFFFFD800  }
0xa2: {  	[tilespmem:s24], [sflag:$0x1] =	stream.linear.gather [spmem:s14], $0x2800, $0x38;
	[tilespmem:$0xC000] =	vst v63  }
0xa3: {  	_ =	swait.ge [sflag:s25], $0x2800  }
0xa4: {  	[sflag:s25] =	ssyncset.done $0x0  }
0xa5: {  	[sflag:s25] =	ssyncadd.s32 $0xFFFFD800  }
0xa6: {  	[hbm4b:s22+s2] =	stream.linear.scatter [tilespmem:s24], [sflag:$0x1], $0x2800, $0x38;
	[tilespmem:$0xC000] =	vst v63  }
0xa7: {  	_ =	swait.ge [sflag:s25], $0x2800  }
0xa8: {  	[sflag:s25] =	ssyncset.done $0x0  }
0xa9: {  	[sflag:s25] =	ssyncadd.s32 $0xFFFFD800  }
0xaa: {  	[tilespmem:s24], [sflag:$0x1] =	stream.linear.gather [spmem:s15], $0x2800, $0x38;
	[tilespmem:$0xC000] =	vst v63  }
0xab: {  	_ =	swait.ge [sflag:s25], $0x2800  }
0xac: {  	[sflag:s25] =	ssyncset.done $0x0  }
0xad: {  	[sflag:s25] =	ssyncadd.s32 $0xFFFFD800  }
0xae: {  	[hbm4b:s23+s2] =	stream.linear.scatter [tilespmem:s24], [sflag:$0x1], $0x2800, $0x38;
	[tilespmem:$0xC000] =	vst v63  }
0xaf: {  	_ =	swait.ge [sflag:s25], $0x2800  }
0xb0: {  	s30 =	sadd.s32 $0x1, s30;
	s19 =	rddreg [dreg:$0x3]  }
0xb1: {  	p0 =	sne.s32 s30, s19  }
.Ltmp4:
0xb2: {  	_ = 	snop;
	(pc) =	sbr.rel @p0 .LBB2_1-.Ltmp4, $3  }
0xb3: {  	_ =	sdelay $0x1  }
0xb4: {  	[sflag:s25] =	ssyncset.done $0x0  }
0xb5: {  	[sflag:s25] =	ssyncadd.s32 $0xFFFFD800  }
0xb6: {  	_ =	sfence.sel $0x180000  }
0xb7: {  	[bflag:$0x0] =	sbarrier.arrive $0xFFFF  }
0xb8: {  	_ =	strace $0x90000047  }
0xb9: {  	s0 =	stileid.u32;
	[bflag:$0x2] =	sbarrier.arrive $0xFFFF  }
0xba: {  	p0 =	sne.s32 s0, $0x0;
	s0 =	rddreg [dreg:$0x2]  }
0xbb: {  	s0 =	sadd.s32 @!p0 $0x100000, s0  }
0xbc: {  	[sflag:s0] =	ssyncadd.tile.s32 @!p0 $0x1;
	_ =	shalt  }
.Lfunc_end2:
_tile_overlayer_lowered:
.L_overlay_start_2:
0xbd: {  	(tag) =	ssettag $0x2  }
0xbe: {  	s0 =	rddreg [dreg:$0x0];
	s2 =	stileid.u32  }
0xbf: {  	s1 =	rddreg [dreg:$0x1];
	p0 =	sne.s32 s2, $0x0  }
0xc0: {  	s3 =	rddreg [dreg:$0x2];
	[bflag:$0x3] =	sbarrier.arrive $0xFFFF;
	s2 =	simm.s32 @!p0 $0x1C01  }
0xc1: {  	[timem:s3], [sflag:s2] =	dma.local @!p0 [hbm:s0], s1  }
0xc2: {  	s0 =	simm.s32 @!p0 $0x1  }
0xc3: {  	_ =	swait.ge @!p0 [sflag:s0], s1  }
0xc4: {  	s1 =	ssub.s32 @!p0 $0x0, s1;
	[sflag:s0] =	ssyncset.done @!p0 $0x0  }
0xc5: {  	[sflag:s0] =	ssyncadd.s32 @!p0 s1  }
0xc6: {  	[bflag:$0x3] =	sbarrier.arrive $0xFFFF  }
0xc7: {  	_ =	shalt  }

// kernel: kernel.9.cloned.1.call-start
scs
__scs_entry_jumppad:
0x0: {  	(pc) =	sbr.rel $0x88, $3  }
0x1: {  	(tag) =	ssettag $0x0;
	lr =	simm.s32 $0x1  }
0x2: {  	[smem:$0x3F94] =	sst lr;
	_ =	strace $0xD0000000  }
0x3: {  	_ = 	snop  }
0x4: {  	_ = 	snop  }
0x5: {  	_ = 	snop  }
0x6: {  	_ = 	snop  }
0x7: {  	_ = 	snop  }
__scs_overlays_trampoline_lowered:
0x8: {  	[smem:$0x3FA3] =	sst s0  }
0x9: {  	[smem:$0x3FA4] =	sst s1  }
0xa: {  	[smem:$0x3FA5] =	sst s2  }
0xb: {  	[smem:$0x3FA6] =	sst s3  }
0xc: {  	[smem:$0x3FA7] =	sst s4  }
0xd: {  	[smem:$0x3FA8] =	sst s5  }
0xe: {  	[smem:$0x3FA9] =	sst s6  }
0xf: {  	[smem:$0x3FAA] =	sst s7  }
0x10: {  	[smem:$0x3FAB] =	sst s8  }
0x11: {  	[smem:$0x3FAC] =	sst s9;
	s0 =	simm.s32 @!p0 $0x0  }
0x12: {  	s1 =	sld [smem:$0x3F92];
	s0 =	simm.s32 @p0 $0x1  }
0x13: {  	[smem:$0x3FAD] =	sst s0;
	s0 =	simm.s32 @!p1 $0x0  }
0x14: {  	s2 =	sld [smem:$0x3F91];
	s0 =	simm.s32 @p1 $0x1  }
0x15: {  	[smem:$0x3FAE] =	sst s0;
	s0 =	simm.s32 @!p2 $0x0  }
0x16: {  	s3 =	sld [smem:$0x3FDB];
	s0 =	simm.s32 @p2 $0x1  }
0x17: {  	s4 =	simm.s32 $0x1BF5;
	[smem:$0x3FB0] =	sst s0  }
0x18: {  	s0 =	sld [smem:$0x3F93];
	_ =	swait.ge [sflag:s4], $0x0  }
0x19: {  	s7 =	sld [smem:$0x3F94]  }
0x1a: {  	s8 =	sadd.s32 $0xFFFFE003, lr  }
0x1b: {  	s9 =	sadd.s32 $0xFFFFFEF7, lr;
	s5 =	simm.s32 $0xFFFFFFFF;
	p2 =	slt.u32 s8, $0xFFFFF086  }
0x1c: {  	p1 =	slt.u32 s9, $0xF7A;
	s5 =	simm.s32 @!p2 $0x0  }
0x1d: {  	s5 =	simm.s32 @p1 $0x1;
	p0 =	seq.s32 s7, s2  }
0x1e: {  	s7 =	smul.u32 @!p0 $0xF7A, s2;
	p2 =	seq.s32 @!p0 s5, $0x0  }
0x1f: {  	s9 =	smul.u32 $0xF7A, s1;
	s8 =	simm.s32 @!p0 $0x1BF5;
	p2 =	por !p2, p0  }
0x20: {  	[sflag:s8] =	ssyncset.s32 @!p0 $0xFFFFF086;
	s6 =	sadd.s32 @!p0 s3, s7;
	s7 =	simm.s32 @!p0 $0x108  }
0x21: {  	s3 =	sadd.s32 s3, s9;
	s6 =	sadd.s32 @!p0 $0x88, s6;
	s7 =	simm.s32 @p2 $0x1082  }
0x22: {  	[simem:s7], [sflag:s8] =	dma.local @!p0 [hbm:s6], $0xF7A  }
0x23: {  	s9 =	sor.u32 $0xD0000000, s2;
	s6 =	simm.s32 $0x108;
	_ =	swait.ge @!p0 [sflag:s8], $0x0  }
0x24: {  	s3 =	sadd.s32 $0x88, s3;
	s6 =	simm.s32 @!p1 $0x1082;
	[sflag:s4] =	ssyncset.s32 $0xFFFFF086  }
0x25: {  	[simem:s6], [sflag:s4] =	dma.local [hbm:s3], $0xF7A  }
0x26: {  	[smem:$0x3F94] =	sst s1;
	(tag) =	ssettag s2;
	_ =	strace s9  }
0x27: {  	s1 =	sld [smem:$0x3FA4]  }
0x28: {  	s2 =	sld [smem:$0x3FA5]  }
0x29: {  	s4 =	sld [smem:$0x3FA7]  }
0x2a: {  	p0 =	seq.s32 s5, $0x0;
	s5 =	sld [smem:$0x3FA8]  }
0x2b: {  	s6 =	sld [smem:$0x3FA9]  }
0x2c: {  	s7 =	sld [smem:$0x3FAA]  }
0x2d: {  	s3 =	simm.s32 $0x108;
	s8 =	sld [smem:$0x3FAB]  }
0x2e: {  	s3 =	simm.s32 @!p0 $0x1082;
	s9 =	sld [smem:$0x3FAC]  }
0x2f: {  	lr =	sadd.s32 s0, s3;
	s0 =	sld [smem:$0x3FA3]  }
0x30: {  	s3 =	sld [smem:$0x3FA6]  }
0x31: {  	[smem:$0x3FAF] =	sst s10  }
0x32: {  	s10 =	sld [smem:$0x3FAD];
	_ =	sdelay $0x3  }
0x33: {  	p0 =	seq.s32 s10, $0x1;
	s10 =	sld [smem:$0x3FAF];
	_ =	sdelay $0x3  }
0x34: {  	[smem:$0x3FAF] =	sst s10  }
0x35: {  	s10 =	sld [smem:$0x3FAE];
	_ =	sdelay $0x3  }
0x36: {  	p1 =	seq.s32 s10, $0x1;
	s10 =	sld [smem:$0x3FAF];
	_ =	sdelay $0x3  }
0x37: {  	[smem:$0x3FAF] =	sst s10  }
0x38: {  	s10 =	sld [smem:$0x3FB0]  }
0x39: {  	_ = 	snop;
	(pc) =	sbr.ind lr, $3  }
0x3a: {  	_ = 	snop  }
0x3b: {  	_ = 	snop  }
0x3c: {  	p2 =	seq.s32 s10, $0x1;
	s10 =	sld [smem:$0x3FAF]  }
0x3d: {  	_ =	shalt  }
0x3e: {  	_ =	shalt  }
0x3f: {  	_ =	shalt  }
0x40: {  	_ =	shalt  }
0x41: {  	_ =	shalt  }
0x42: {  	_ =	shalt  }
0x43: {  	_ =	shalt  }
0x44: {  	_ =	shalt  }
0x45: {  	_ =	shalt  }
0x46: {  	_ =	shalt  }
0x47: {  	_ =	shalt  }
0x48: {  	_ =	shalt  }
0x49: {  	_ =	shalt  }
0x4a: {  	_ =	shalt  }
0x4b: {  	_ =	shalt  }
0x4c: {  	_ =	shalt  }
0x4d: {  	_ =	shalt  }
0x4e: {  	_ =	shalt  }
0x4f: {  	_ =	shalt  }
0x50: {  	_ =	shalt  }
0x51: {  	_ =	shalt  }
0x52: {  	_ =	shalt  }
0x53: {  	_ =	shalt  }
0x54: {  	_ =	shalt  }
0x55: {  	_ =	shalt  }
0x56: {  	_ =	shalt  }
0x57: {  	_ =	shalt  }
0x58: {  	_ =	shalt  }
0x59: {  	_ =	shalt  }
0x5a: {  	_ =	shalt  }
0x5b: {  	_ =	shalt  }
0x5c: {  	_ =	shalt  }
0x5d: {  	_ =	shalt  }
0x5e: {  	_ =	shalt  }
0x5f: {  	_ =	shalt  }
0x60: {  	_ =	shalt  }
0x61: {  	_ =	shalt  }
0x62: {  	_ =	shalt  }
0x63: {  	_ =	shalt  }
0x64: {  	_ =	shalt  }
0x65: {  	_ =	shalt  }
0x66: {  	_ =	shalt  }
0x67: {  	_ =	shalt  }
0x68: {  	_ =	shalt  }
0x69: {  	_ =	shalt  }
0x6a: {  	_ =	shalt  }
0x6b: {  	_ =	shalt  }
0x6c: {  	_ =	shalt  }
0x6d: {  	_ =	shalt  }
0x6e: {  	_ =	shalt  }
0x6f: {  	_ =	shalt  }
0x70: {  	_ =	shalt  }
0x71: {  	_ =	shalt  }
0x72: {  	_ =	shalt  }
0x73: {  	_ =	shalt  }
0x74: {  	_ =	shalt  }
0x75: {  	_ =	shalt  }
0x76: {  	_ =	shalt  }
0x77: {  	_ =	shalt  }
0x78: {  	_ =	shalt  }
0x79: {  	_ =	shalt  }
0x7a: {  	_ =	shalt  }
0x7b: {  	_ =	shalt  }
0x7c: {  	_ =	shalt  }
0x7d: {  	_ =	shalt  }
0x7e: {  	_ =	shalt  }
0x7f: {  	_ =	shalt  }
0x80: {  	_ =	shalt  }
0x81: {  	_ =	shalt  }
0x82: {  	_ =	shalt  }
0x83: {  	_ =	shalt  }
0x84: {  	_ =	shalt  }
0x85: {  	_ =	shalt  }
0x86: {  	_ =	shalt  }
0x87: {  	_ =	shalt  }
.Lfunc_end0:
.L_simem_size_0:
called_computation.1_lowered:
.L_overlay_start_0:
0x88: {  	s2 =	sld [smem:$0x3FD9]  }
0x89: {  	s3 =	sld [smem:$0x3FFE];
	_ =	sdelay $0x1  }
0x8a: {  	s1 =	srdreg.scid  }
0x8b: {  	s0 =	sand.u32 $0x1, s1  }
0x8c: {  	s16 =	sshll.u32 s0, $0xA;
	s2 =	sadd.s32 s3, s2  }
0x8d: {  	s2 =	sadd.s32 s2, s16  }
0x8e: {  	[smem:$0x3FBB] =	sst s2  }
0x8f: {  	_ = 	snop  }
0x90: {  	(tm) =	ssettm $0x1  }
0x91: {  	s17 =	sld [smem:$0x3FFB];
	_ =	sdelay $0x3  }
0x92: {  	_ =	strace s17  }
0x93: {  	s2 =	sld [smem:$0x3FFC];
	_ =	sdelay $0x3  }
0x94: {  	_ =	strace s2  }
0x95: {  	s2 =	sld [smem:$0x3FFD];
	_ =	sdelay $0x3  }
0x96: {  	_ =	strace s2  }
0x97: {  	_ =	strace $0x8FFFFFFF  }
0x98: {  	s18 =	sld [smem:$0x3FDB];
	_ =	sdelay $0x1  }
0x99: {  	s19 =	simm.s32 $_scs_section_size  }
0x9a: {  	s4 =	simm.s32 $_size__tile_overlayer_lowered;
	s5 =	simm.s32 $_tile_overlayer_lowered  }
0x9b: {  	s22 =	simm.s32 $0x1BFF;
	s21 =	sshll.u32 s5, $0x1;
	s2 =	sadd.s32 s19, s18  }
0x9c: {  	s6 =	simm.s32 $0x0;
	s20 =	sshll.u32 s4, $0x1;
	s4 =	sadd.s32 s21, s2  }
0x9d: {  	[timem:s6], [sflag:s22] =	dma.local [hbm:s4], s20  }
0x9e: {  	_ =	swait.ge [sflag:s22], s20  }
0x9f: {  	s3 =	ssub.s32 $0x0, s20;
	[sflag:s22] =	ssyncset.done $0x0  }
0xa0: {  	[sflag:s22] =	ssyncadd.s32 s3;
	_ =	sdelay $0x1  }
0xa1: {  	s23 =	simm.s32 $0x1B8B  }
0xa2: {  	_ =	swait.ge [sflag:s23], $0x1  }
0xa3: {  	[sflag:s23] =	ssyncset.done $0x0  }
0xa4: {  	s25 =	simm.s32 $0x1B8E;
	s24 =	sld [smem:$0x3FFE];
	[sflag:s23] =	ssyncadd.s32 $0xFFFFFFFF  }
0xa5: {  	s26 =	simm.s32 $execute0_lowered;
	[smem:$0x3FD2] =	sst s25  }
0xa6: {  	s4 =	sshll.u32 s26, $0x1;
	_ =	strace $0x80000049;
	[dreg:$0x1] =	wrdreg $0xFFFFFFFF  }
0xa7: {  	s28 =	simm.s32 $_size_execute0_lowered;
	s2 =	sadd.s32 s2, s4;
	[dreg:$0x0] =	wrdreg $0x0  }
0xa8: {  	s4 =	sshll.u32 s28, $0x1;
	[dreg:$0x2] =	wrdreg s2  }
0xa9: {  	[dreg:$0x3] =	wrdreg s4  }
0xaa: {  	[dreg:$0x4] =	wrdreg $0xC0  }
0xab: {  	_ =	task [dreg:s6], $0x5FFFF  }
0xac: {  	[dreg:$0x1] =	wrdreg $0xFFFFFFFF  }
0xad: {  	[dreg:$0x0] =	wrdreg $0x60  }
0xae: {  	[dreg:$0x2] =	wrdreg s24  }
0xaf: {  	[dreg:$0x3] =	wrdreg $0x89000  }
0xb0: {  	[dreg:$0x4] =	wrdreg $0x9  }
0xb1: {  	_ =	task.clear_ibuf [dreg:s6], $0x5FFFF;
	_ =	strace $0x90000049  }
0xb2: {  	s29 =	simm.s32 $0x9;
	_ =	strace $0x8000004B  }
0xb3: {  	_ =	swait.ge [sflag:s29], $0x1  }
0xb4: {  	[sflag:s29] =	ssyncadd.s32 $0xFFFFFFFF  }
0xb5: {  	_ =	strace $0x9000004B  }
0xb6: {  	_ =	sfence  }
0xb7: {  	s30 =	sld [smem:$0x0];
	_ =	sdelay $0x2  }
0xb8: {  	s31 =	sshll.u32 s1, $0xD;
	s1 =	sshrl.u32 s1, $0x2  }
0xb9: {  	s3 =	sand.u32 $0x4000, s31;
	s1 =	sadd.s32 s1, s30  }
0xba: {  	s0 =	sor.u32 s3, s0;
	s1 =	sshll.u32 s1, $0x11  }
0xbb: {  	s0 =	sor.u32 s1, s0  }
0xbc: {  	s0 =	sadd.s32 $0x8F2B, s0  }
0xbd: {  	[sflag:s0] =	ssyncadd.remote.s32 $0x1  }
0xbe: {  	_ =	sfence.sel $0xFFFF  }
0xbf: {  	[dreg:$0x0] =	wrdreg $0xFFFFFFFF;
	(pc) =	sbr.abs _section_cstart, $3  }
0xc0: {  	[dreg:$0x1] =	wrdreg $0xFFFFFFFF  }
0xc1: {  	_ =	task.clear_ibuf [dreg:s6], $0x2FFFF;
	_ =	strace $0x9FFFFFFF  }
0xc2: {  	(tm) =	ssettm $0x7FFFFFFF  }
0xc3: {  	_ =	shalt  }
tec
execute0_lowered:
.L_overlay_start_1:
0x0: {  	(tag) =	ssettag $0x1  }
0x1: {  	s0 =	rddreg [dreg:$0x0]  }
0x2: {  	s1 =	rddreg [dreg:$0x1];
	s2 =	simm.s32 $0x0  }
0x3: {  	s3 =	srdreg.scid;
	s11 =	stileid.u32;
	s28 =	simm.s32 $0x3900  }
0x4: {  	s29 =	simm.s32 $0x3;
	s30 =	simm.s32 $0x1C00;
	s31 =	simm.s32 $0x50  }
0x5: {  	[smem:$0x7FF] =	sst s2;
	s4 =	sadd.s32 $0x79E00, s0;
	s3 =	sand.u32 $0x1, s3  }
0x6: {  	s5 =	sadd.s32 $0x8B600, s0;
	s9 =	smul.u32 $0x50000, s11;
	s6 =	sadd.s32 $0x9CE00, s0  }
0x7: {  	s12 =	smul.u32 $0x14000, s11;
	s7 =	ssub.s32 $0x2, s3;
	s3 =	sshll.u32 s3, $0x3  }
0x8: {  	s8 =	sadd.s32 $0x30DE00, s0;
	_ =	strace $0x8000004A;
	[dreg:$0x4] =	wrdreg s3  }
0x9: {  	s10 =	sshrl.u32 s7, $0x1;
	s13 =	sor.u32 $0x2800, s12;
	[dreg:$0x3] =	wrdreg s12  }
0xa: {  	s14 =	sadd.s32 $0x5000, s12;
	s15 =	sadd.s32 $0x7800, s12;
	[dreg:$0x5] =	wrdreg s13  }
0xb: {  	s16 =	sadd.s32 $0xA000, s12;
	s17 =	sadd.s32 $0xC800, s12;
	[dreg:$0x7] =	wrdreg s14  }
0xc: {  	s18 =	sadd.s32 $0xF000, s12;
	s24 =	sadd.s32 $0x11800, s12;
	[dreg:$0x8] =	wrdreg s15  }
0xd: {  	s3 =	simm.s32 $0x3880;
	s12 =	simm.s32 $0x6100;
	[dreg:$0x9] =	wrdreg s16  }
0xe: {  	s7 =	ssub.s32 s7, s10;
	s10 =	smul.u32 $0x8C00, s11;
	[dreg:$0xc] =	wrdreg s17  }
0xf: {  	s11 =	sshrl.u32 s9, $0x2;
	s20 =	sadd.s32 s13, s1;
	[dreg:$0xd] =	wrdreg s18  }
0x10: {  	s21 =	sadd.s32 s14, s1;
	s25 =	sadd.s32 s18, s1;
	[dreg:$0xe] =	wrdreg s24  }
0x11: {  	s22 =	sadd.s32 s15, s1;
	s26 =	sadd.s32 s24, s1;
	[dreg:$0x10] =	wrdreg s25  }
0x12: {  	s23 =	sadd.s32 s16, s1;
	s9 =	simm.s32 $0x1;
	[dreg:$0x11] =	wrdreg s26  }
0x13: {  	s15 =	simm.s32 $0x3480;
	s14 =	simm.s32 $0x0;
	[dreg:$0xa] =	wrdreg s22  }
0x14: {  	s0 =	smax.u32 s7, $0x1;
	s19 =	sadd.s32 s11, s1;
	[dreg:$0xb] =	wrdreg s23  }
0x15: {  	s7 =	simm.s32 $0x2;
	[dreg:$0x6] =	wrdreg s0;
	s0 =	sadd.s32 s17, s1  }
0x16: {  	v0 =	vimm.f32 $0.0e+00;
	s11 =	simm.s32 $0x3400;
	[dreg:$0xf] =	wrdreg s0;
	s0 =	simm.s32 $0x3800  }
.LBB2_1:
0x17: {  	[dreg:$0x12] =	wrdreg s14;
	s16 =	simm.s32 $0x0  }
.LBB2_2:
0x18: {  	s13 =	simm.s32 $0x0  }
0x19: {  	s14 =	sand.u32 $0xFE00, s13  }
0x1a: {  	s17 =	sand.u32 $0x70, s13;
	s18 =	sshrl.u32 s14, $0x2  }
0x1b: {  	s14 =	simm.s32 $0x40;
	s17 =	sor.u32 s17, s18  }
.LBB2_3:
0x1c: {  	p0 =	sne.s32 s14, $0x9FC0  }
0x1d: {  	[tilespmem:s17+$0x3900] =	vst v0;
	s13 =	sadd.s32 $0x10, s13;
	s17 =	smov.u32 s14;
	s14 =	sadd.s32 $0x40, s14  }
.Ltmp0:
0x1e: {  	(pc) =	sbr.rel @p0 .LBB2_3-.Ltmp0, $4  }
0x1f: {  	_ = 	snop  }
0x20: {  	s17 =	sand.u32 $0xFE00, s17  }
0x21: {  	s18 =	sand.u32 $0x70, s13;
	s17 =	sshrl.u32 s17, $0x2  }
0x22: {  	s17 =	sor.u32 s18, s17  }
0x23: {  	[tilespmem:s17+$0x3900] =	vst v0  }
0x24: {  	[spmem:s19] =	stream.linear.scatter [tilespmem:s28], [sflag:$0x3], $0x2800, $0x38;
	[tilespmem:$0x1C900] =	vst v63  }
0x25: {  	_ =	swait.ge [sflag:s29], $0x2800  }
0x26: {  	[sflag:s29] =	ssyncset.done $0x0  }
0x27: {  	[sflag:s29] =	ssyncadd.s32 $0xFFFFD800  }
0x28: {  	[spmem:s20] =	stream.linear.scatter [tilespmem:s28], [sflag:$0x3], $0x2800, $0x38;
	[tilespmem:$0x1C900] =	vst v63  }
0x29: {  	_ =	swait.ge [sflag:s29], $0x2800  }
0x2a: {  	[sflag:s29] =	ssyncset.done $0x0  }
0x2b: {  	[sflag:s29] =	ssyncadd.s32 $0xFFFFD800  }
0x2c: {  	[spmem:s21] =	stream.linear.scatter [tilespmem:s28], [sflag:$0x3], $0x2800, $0x38;
	[tilespmem:$0x1C900] =	vst v63  }
0x2d: {  	_ =	swait.ge [sflag:s29], $0x2800  }
0x2e: {  	[sflag:s29] =	ssyncset.done $0x0  }
0x2f: {  	[sflag:s29] =	ssyncadd.s32 $0xFFFFD800  }
0x30: {  	[spmem:s22] =	stream.linear.scatter [tilespmem:s28], [sflag:$0x3], $0x2800, $0x38;
	[tilespmem:$0x1C900] =	vst v63  }
0x31: {  	_ =	swait.ge [sflag:s29], $0x2800  }
0x32: {  	[sflag:s29] =	ssyncset.done $0x0  }
0x33: {  	[sflag:s29] =	ssyncadd.s32 $0xFFFFD800  }
0x34: {  	[spmem:s23] =	stream.linear.scatter [tilespmem:s28], [sflag:$0x3], $0x2800, $0x38;
	[tilespmem:$0x1C900] =	vst v63  }
0x35: {  	_ =	swait.ge [sflag:s29], $0x2800  }
0x36: {  	[sflag:s29] =	ssyncset.done $0x0  }
0x37: {  	s13 =	rddreg [dreg:$0xf];
	[sflag:s29] =	ssyncadd.s32 $0xFFFFD800  }
0x38: {  	[spmem:s13] =	stream.linear.scatter [tilespmem:s28], [sflag:$0x3], $0x2800, $0x38;
	[tilespmem:$0x1C900] =	vst v63  }
0x39: {  	_ =	swait.ge [sflag:s29], $0x2800  }
0x3a: {  	[sflag:s29] =	ssyncset.done $0x0  }
0x3b: {  	s26 =	smov.u32 s21;
	s21 =	rddreg [dreg:$0x10];
	[sflag:s29] =	ssyncadd.s32 $0xFFFFD800  }
0x3c: {  	[spmem:s21] =	stream.linear.scatter [tilespmem:s28], [sflag:$0x3], $0x2800, $0x38;
	[tilespmem:$0x1C900] =	vst v63  }
0x3d: {  	_ =	swait.ge [sflag:s29], $0x2800  }
0x3e: {  	[sflag:s29] =	ssyncset.done $0x0  }
0x3f: {  	s22 =	rddreg [dreg:$0x11];
	[sflag:s29] =	ssyncadd.s32 $0xFFFFD800  }
0x40: {  	[spmem:s22] =	stream.linear.scatter [tilespmem:s28], [sflag:$0x3], $0x2800, $0x38;
	[tilespmem:$0x1C900] =	vst v63  }
0x41: {  	_ =	swait.ge [sflag:s29], $0x2800  }
0x42: {  	s23 =	rddreg [dreg:$0x4]  }
0x43: {  	s17 =	sadd.s32 s23, s16  }
0x44: {  	[sflag:s29] =	ssyncset.done $0x0;
	s13 =	smul.u32 $0x2710, s17  }
0x45: {  	s24 =	smov.u32 s19;
	s25 =	smov.u32 s20;
	[sflag:s29] =	ssyncadd.s32 $0xFFFFD800  }
0x46: {  	s21 =	simm.s32 $0x0;
	s22 =	simm.s32 $0x0;
	[bflag:$0x0] =	sbarrier.arrive $0xFFFF;
	v1 =	vmov s13  }
.LBB2_5:
0x47: {  	s13 =	smul.u32 $0x1C00, s22;
	_ =	sdelay $0x1  }
0x48: {  	s19 =	smul.u32 $0xCD, s21;
	s13 =	sadd.s32 s10, s13  }
0x49: {  	s13 =	sshrl.u32 s13, $0x3  }
0x4a: {  	s18 =	sshrl.u32 s19, $0xA;
	s14 =	sadd.s32 s4, s13  }
0x4b: {  	[tilespmem:s21], [sflag:$0x3] =	stream.linear.gather [hbm4b:s14+s21], $0x1900, $0x38;
	[tilespmem:$0x1C900] =	vst v63  }
0x4c: {  	s18 =	smul.u32 $0x5, s18;
	_ =	swait.ge [sflag:s29], $0x1900  }
0x4d: {  	s13 =	sadd.s32 s5, s13;
	[sflag:s29] =	ssyncset.done $0x0  }
0x4e: {  	s20 =	ssub.s32 $0x0, s18;
	s14 =	sshrl.u32 s19, $0x3;
	[sflag:s29] =	ssyncadd.s32 $0xFFFFE700  }
0x4f: {  	[tilespmem:s30], [sflag:$0x3] =	stream.linear.gather [hbm4b:s13+s21], $0x1900, $0x38;
	[tilespmem:$0x1C900] =	vst v63  }
0x50: {  	s23 =	sand.u32 $0x1F80, s14;
	s13 =	sshll.u32 s20, $0x4;
	_ =	swait.ge [sflag:s29], $0x1900  }
0x51: {  	s14 =	simm.s32 $0x1;
	s13 =	sand.u32 $0xF0, s13;
	[sflag:s29] =	ssyncset.done $0x0  }
0x52: {  	s13 =	sor.u32 s13, s23;
	s23 =	smul.u32 $0xCD, s14;
	[sflag:s29] =	ssyncadd.s32 $0xFFFFE700  }
0x53: {  	s18 =	simm.s32 $0x2;
	v2 =	vld [tilespmem:s13+$0x0]  }
.LBB2_6:
0x54: {  	p0 =	sne.s32 s18, $0xF9;
	s19 =	sshrl.u32 s23, $0xA;
	v3 =	vld [tilespmem:s13+$0x1C00]  }
0x55: {  	s19 =	smul.u32 $0x5, s19;
	_ =	sdelay $0x1  }
.Ltmp1:
0x56: {  	s19 =	ssub.s32 s14, s19;
	s14 =	smov.u32 s18;
	(pc) =	sbr.rel @p0 .LBB2_6-.Ltmp1, $4  }
0x57: {  	s23 =	sshrl.u32 s23, $0x3;
	s19 =	sshll.u32 s19, $0x4  }
0x58: {  	s20 =	sand.u32 $0x1F80, s23;
	s19 =	sand.u32 $0xF0, s19;
	vm0 =	veq.s32 v2, v3  }
0x59: {  	s23 =	smul.u32 $0xCD, s18;
	s19 =	sor.u32 s19, s20;
	v3 =	vsel vm0, $0x2710, v3  }
0x5a: {  	s18 =	sadd.s32 $0x1, s18;
	v2 =	vld [tilespmem:s19+$0x0];
	[tilespmem:s13+$0x1C00] =	vst v3;
	s13 =	smov.u32 s19  }
0x5b: {  	s18 =	sshrl.u32 s23, $0xA;
	v3 =	vld [tilespmem:s13+$0x1C00]  }
0x5c: {  	s18 =	smul.u32 $0x5, s18;
	_ =	sdelay $0x1  }
0x5d: {  	s14 =	ssub.s32 s14, s18  }
0x5e: {  	s23 =	sshrl.u32 s23, $0x3;
	s14 =	sshll.u32 s14, $0x4  }
0x5f: {  	s18 =	sand.u32 $0x1F80, s23;
	s14 =	sand.u32 $0xF0, s14;
	vm0 =	veq.s32 v2, v3  }
0x60: {  	s14 =	sor.u32 s14, s18;
	v2 =	vsel vm0, $0x2710, v3  }
0x61: {  	v3 =	vld [tilespmem:s14+$0x0];
	[tilespmem:s13+$0x1C00] =	vst v2  }
0x62: {  	v2 =	vld [tilespmem:s14+$0x1C00];
	_ =	sdelay $0x4  }
0x63: {  	vm15 =	veq.s32 v3, v2  }
0x64: {  	v2 =	vsel vm15, $0x2710, v2  }
0x65: {  	[tilespmem:s14+$0x1C00] =	vst v2  }
0x66: {  	v2 =	vld [tilespmem:$0x0]  }
0x67: {  	v3 =	vld [tilespmem:$0x10]  }
0x68: {  	v4 =	vld [tilespmem:$0x20]  }
0x69: {  	v5 =	vld [tilespmem:$0x30]  }
0x6a: {  	v6 =	vld [tilespmem:$0x40]  }
0x6b: {  	v2 =	vadd.s32 v1, v2  }
0x6c: {  	[tilespmem:$0x3800] =	vst v2;
	v2 =	vadd.s32 v1, v3  }
0x6d: {  	[tilespmem:$0x3810] =	vst v2;
	v2 =	vadd.s32 v1, v4  }
0x6e: {  	[tilespmem:$0x3820] =	vst v2;
	v2 =	vadd.s32 v1, v5  }
0x6f: {  	[tilespmem:$0x3830] =	vst v2;
	v2 =	vadd.s32 v1, v6  }
0x70: {  	s19 =	simm.s32 $0x0;
	[tilespmem:$0x3840] =	vst v2  }
0x71: {  	[tilespmem:s28], [sflag:$0x1] =	stream.indirect.gather [hbm4b:s6+s31], $0x80, s0, s31, $0xb8;
	[tilespmem:$0x1C900] =	vst v63  }
0x72: {  	v2 =	vld [tilespmem:s19+$0x80];
	_ =	sdelay $0x4  }
0x73: {  	v2 =	vadd.s32 v1, v2  }
0x74: {  	[tilespmem:$0x3880] =	vst v2  }
0x75: {  	v2 =	vld [tilespmem:s19+$0x90];
	_ =	sdelay $0x4  }
0x76: {  	v2 =	vadd.s32 v1, v2  }
0x77: {  	[tilespmem:$0x3890] =	vst v2  }
0x78: {  	v2 =	vld [tilespmem:s19+$0xA0];
	_ =	sdelay $0x4  }
0x79: {  	v2 =	vadd.s32 v1, v2  }
0x7a: {  	[tilespmem:$0x38A0] =	vst v2  }
0x7b: {  	v2 =	vld [tilespmem:s19+$0xB0];
	_ =	sdelay $0x4  }
0x7c: {  	v2 =	vadd.s32 v1, v2  }
0x7d: {  	[tilespmem:$0x38B0] =	vst v2  }
0x7e: {  	v2 =	vld [tilespmem:s19+$0xC0];
	_ =	sdelay $0x4  }
0x7f: {  	v2 =	vadd.s32 v1, v2  }
0x80: {  	[tilespmem:$0x38C0] =	vst v2  }
0x81: {  	[tilespmem:s12], [sflag:$0x2] =	stream.indirect.gather [hbm4b:s6+s31], $0x80, s3, s31, $0xb8;
	[tilespmem:$0x1C900] =	vst v63  }
0x82: {  	_ =	swait.ge [sflag:s9], $0x2800  }
0x83: {  	[sflag:s9] =	ssyncset.done $0x0  }
0x84: {  	s20 =	simm.s32 $0x1C00;
	[sflag:s9] =	ssyncadd.s32 $0xFFFFD800  }
0x85: {  	[spmem:s1] =	stream.indirect.scatter.add.f32 [tilespmem:s28], [sflag:$0x3], $0x80, s20, s31, $0xb8;
	[tilespmem:$0x1C900] =	vst v63  }
0x86: {  	_ =	swait.ge [sflag:s29], $0x2800  }
0x87: {  	[sflag:s29] =	ssyncset.done $0x0  }
0x88: {  	[sflag:s29] =	ssyncadd.s32 $0xFFFFD800  }
0x89: {  	v2 =	vld [tilespmem:s19+$0x100];
	_ =	sdelay $0x4  }
0x8a: {  	v2 =	vadd.s32 v1, v2  }
0x8b: {  	[tilespmem:$0x3800] =	vst v2  }
0x8c: {  	v2 =	vld [tilespmem:s19+$0x110];
	_ =	sdelay $0x4  }
0x8d: {  	v2 =	vadd.s32 v1, v2  }
0x8e: {  	[tilespmem:$0x3810] =	vst v2  }
0x8f: {  	v2 =	vld [tilespmem:s19+$0x120];
	_ =	sdelay $0x4  }
0x90: {  	v2 =	vadd.s32 v1, v2  }
0x91: {  	[tilespmem:$0x3820] =	vst v2  }
0x92: {  	v2 =	vld [tilespmem:s19+$0x130];
	_ =	sdelay $0x4  }
0x93: {  	v2 =	vadd.s32 v1, v2  }
0x94: {  	[tilespmem:$0x3830] =	vst v2  }
0x95: {  	v2 =	vld [tilespmem:s19+$0x140];
	_ =	sdelay $0x4  }
0x96: {  	v2 =	vadd.s32 v1, v2  }
0x97: {  	[tilespmem:$0x3840] =	vst v2  }
0x98: {  	[tilespmem:s28], [sflag:$0x1] =	stream.indirect.gather [hbm4b:s6+s31], $0x80, s0, s31, $0xb8;
	[tilespmem:$0x1C900] =	vst v63  }
0x99: {  	_ =	swait.ge [sflag:s7], $0x2800  }
0x9a: {  	[sflag:s7] =	ssyncset.done $0x0  }
0x9b: {  	s23 =	simm.s32 $0x1C80;
	[sflag:s7] =	ssyncadd.s32 $0xFFFFD800  }
0x9c: {  	[spmem:s1] =	stream.indirect.scatter.add.f32 [tilespmem:s12], [sflag:$0x3], $0x80, s23, s31, $0xb8;
	[tilespmem:$0x1C900] =	vst v63  }
0x9d: {  	_ =	swait.ge [sflag:s29], $0x2800  }
0x9e: {  	s18 =	simm.s32 $0x800;
	s23 =	simm.s32 $0x400;
	[sflag:s29] =	ssyncset.done $0x0  }
.LBB2_8:
0x9f: {  	s14 =	sshra.s32 s23, $0x2  }
0xa0: {  	[sflag:s29] =	ssyncadd.s32 $0xFFFFD800;
	s23 =	smov.u32 s18;
	s13 =	sadd.s32 $0x400, s18  }
0xa1: {  	p0 =	sne.s32 s18, $0x5C00;
	v2 =	vld [tilespmem:s14+$0x80];
	_ =	sdelay $0x4  }
0xa2: {  	v2 =	vadd.s32 v1, v2  }
0xa3: {  	[tilespmem:$0x3880] =	vst v2  }
0xa4: {  	v2 =	vld [tilespmem:s14+$0x90];
	_ =	sdelay $0x4  }
0xa5: {  	v2 =	vadd.s32 v1, v2  }
0xa6: {  	[tilespmem:$0x3890] =	vst v2  }
0xa7: {  	v2 =	vld [tilespmem:s14+$0xA0];
	_ =	sdelay $0x4  }
0xa8: {  	v2 =	vadd.s32 v1, v2  }
0xa9: {  	[tilespmem:$0x38A0] =	vst v2  }
0xaa: {  	v2 =	vld [tilespmem:s14+$0xB0];
	_ =	sdelay $0x4  }
0xab: {  	v2 =	vadd.s32 v1, v2  }
0xac: {  	[tilespmem:$0x38B0] =	vst v2  }
0xad: {  	v2 =	vld [tilespmem:s14+$0xC0];
	_ =	sdelay $0x4  }
0xae: {  	v2 =	vadd.s32 v1, v2  }
0xaf: {  	[tilespmem:$0x38C0] =	vst v2  }
0xb0: {  	[tilespmem:s12], [sflag:$0x2] =	stream.indirect.gather [hbm4b:s6+s31], $0x80, s3, s31, $0xb8;
	[tilespmem:$0x1C900] =	vst v63  }
0xb1: {  	_ =	swait.ge [sflag:s9], $0x2800  }
0xb2: {  	[sflag:s9] =	ssyncset.done $0x0  }
0xb3: {  	s18 =	sadd.s32 $0x1C00, s14;
	[sflag:s9] =	ssyncadd.s32 $0xFFFFD800  }
0xb4: {  	[spmem:s1] =	stream.indirect.scatter.add.f32 [tilespmem:s28], [sflag:$0x3], $0x80, s18, s31, $0xb8;
	[tilespmem:$0x1C900] =	vst v63  }
0xb5: {  	_ =	swait.ge [sflag:s29], $0x2800  }
0xb6: {  	[sflag:s29] =	ssyncset.done $0x0  }
0xb7: {  	[sflag:s29] =	ssyncadd.s32 $0xFFFFD800  }
0xb8: {  	v2 =	vld [tilespmem:s14+$0x100];
	_ =	sdelay $0x4  }
0xb9: {  	v2 =	vadd.s32 v1, v2  }
0xba: {  	[tilespmem:$0x3800] =	vst v2  }
0xbb: {  	v2 =	vld [tilespmem:s14+$0x110];
	_ =	sdelay $0x4  }
0xbc: {  	v2 =	vadd.s32 v1, v2  }
0xbd: {  	[tilespmem:$0x3810] =	vst v2  }
0xbe: {  	v2 =	vld [tilespmem:s14+$0x120];
	_ =	sdelay $0x4  }
0xbf: {  	v2 =	vadd.s32 v1, v2  }
0xc0: {  	[tilespmem:$0x3820] =	vst v2  }
0xc1: {  	v2 =	vld [tilespmem:s14+$0x130];
	_ =	sdelay $0x4  }
0xc2: {  	v2 =	vadd.s32 v1, v2  }
0xc3: {  	[tilespmem:$0x3830] =	vst v2  }
0xc4: {  	v2 =	vld [tilespmem:s14+$0x140];
	_ =	sdelay $0x4  }
0xc5: {  	v2 =	vadd.s32 v1, v2  }
0xc6: {  	[tilespmem:$0x3840] =	vst v2  }
0xc7: {  	[tilespmem:s28], [sflag:$0x1] =	stream.indirect.gather [hbm4b:s6+s31], $0x80, s0, s31, $0xb8;
	[tilespmem:$0x1C900] =	vst v63  }
0xc8: {  	_ =	swait.ge [sflag:s7], $0x2800  }
.Ltmp2:
0xc9: {  	[sflag:s7] =	ssyncset.done $0x0;
	(pc) =	sbr.rel @p0 .LBB2_8-.Ltmp2, $4  }
0xca: {  	s14 =	sadd.s32 $0x1C80, s14;
	[sflag:s7] =	ssyncadd.s32 $0xFFFFD800  }
0xcb: {  	[spmem:s1] =	stream.indirect.scatter.add.f32 [tilespmem:s12], [sflag:$0x3], $0x80, s14, s31, $0xb8;
	[tilespmem:$0x1C900] =	vst v63  }
0xcc: {  	_ =	swait.ge [sflag:s29], $0x2800  }
0xcd: {  	s18 =	smov.u32 s13;
	[sflag:s29] =	ssyncset.done $0x0  }
0xce: {  	s13 =	sshra.s32 s23, $0x2;
	[sflag:s29] =	ssyncadd.s32 $0xFFFFD800  }
0xcf: {  	v2 =	vld [tilespmem:s13+$0x80];
	_ =	sdelay $0x4  }
0xd0: {  	v2 =	vadd.s32 v1, v2  }
0xd1: {  	[tilespmem:$0x3880] =	vst v2  }
0xd2: {  	v2 =	vld [tilespmem:s13+$0x90];
	_ =	sdelay $0x4  }
0xd3: {  	v2 =	vadd.s32 v1, v2  }
0xd4: {  	[tilespmem:$0x3890] =	vst v2  }
0xd5: {  	v2 =	vld [tilespmem:s13+$0xA0];
	_ =	sdelay $0x4  }
0xd6: {  	v2 =	vadd.s32 v1, v2  }
0xd7: {  	[tilespmem:$0x38A0] =	vst v2  }
0xd8: {  	v2 =	vld [tilespmem:s13+$0xB0];
	_ =	sdelay $0x4  }
0xd9: {  	v2 =	vadd.s32 v1, v2  }
0xda: {  	[tilespmem:$0x38B0] =	vst v2  }
0xdb: {  	v2 =	vld [tilespmem:s13+$0xC0];
	_ =	sdelay $0x4  }
0xdc: {  	v2 =	vadd.s32 v1, v2  }
0xdd: {  	[tilespmem:$0x38C0] =	vst v2  }
0xde: {  	[tilespmem:s12], [sflag:$0x2] =	stream.indirect.gather [hbm4b:s6+s31], $0x80, s3, s31, $0xb8;
	[tilespmem:$0x1C900] =	vst v63  }
0xdf: {  	_ =	swait.ge [sflag:s9], $0x2800  }
0xe0: {  	[sflag:s9] =	ssyncset.done $0x0  }
0xe1: {  	s14 =	sadd.s32 $0x1C00, s13;
	[sflag:s9] =	ssyncadd.s32 $0xFFFFD800  }
0xe2: {  	[spmem:s1] =	stream.indirect.scatter.add.f32 [tilespmem:s28], [sflag:$0x3], $0x80, s14, s31, $0xb8;
	[tilespmem:$0x1C900] =	vst v63  }
0xe3: {  	_ =	swait.ge [sflag:s29], $0x2800  }
0xe4: {  	[sflag:s29] =	ssyncset.done $0x0  }
0xe5: {  	[sflag:s29] =	ssyncadd.s32 $0xFFFFD800  }
0xe6: {  	v2 =	vld [tilespmem:s13+$0x100];
	_ =	sdelay $0x4  }
0xe7: {  	v2 =	vadd.s32 v1, v2  }
0xe8: {  	[tilespmem:$0x3800] =	vst v2  }
0xe9: {  	v2 =	vld [tilespmem:s13+$0x110];
	_ =	sdelay $0x4  }
0xea: {  	v2 =	vadd.s32 v1, v2  }
0xeb: {  	[tilespmem:$0x3810] =	vst v2  }
0xec: {  	v2 =	vld [tilespmem:s13+$0x120];
	_ =	sdelay $0x4  }
0xed: {  	v2 =	vadd.s32 v1, v2  }
0xee: {  	[tilespmem:$0x3820] =	vst v2  }
0xef: {  	v2 =	vld [tilespmem:s13+$0x130];
	_ =	sdelay $0x4  }
0xf0: {  	v2 =	vadd.s32 v1, v2  }
0xf1: {  	[tilespmem:$0x3830] =	vst v2  }
0xf2: {  	v2 =	vld [tilespmem:s13+$0x140];
	_ =	sdelay $0x4  }
0xf3: {  	v2 =	vadd.s32 v1, v2  }
0xf4: {  	[tilespmem:$0x3840] =	vst v2  }
0xf5: {  	[tilespmem:s28], [sflag:$0x1] =	stream.indirect.gather [hbm4b:s6+s31], $0x80, s0, s31, $0xb8;
	[tilespmem:$0x1C900] =	vst v63  }
0xf6: {  	_ =	swait.ge [sflag:s7], $0x2800  }
0xf7: {  	[sflag:s7] =	ssyncset.done $0x0  }
0xf8: {  	s13 =	sadd.s32 $0x1C80, s13;
	[sflag:s7] =	ssyncadd.s32 $0xFFFFD800  }
0xf9: {  	[spmem:s1] =	stream.indirect.scatter.add.f32 [tilespmem:s12], [sflag:$0x3], $0x80, s13, s31, $0xb8;
	[tilespmem:$0x1C900] =	vst v63  }
0xfa: {  	_ =	swait.ge [sflag:s29], $0x2800  }
0xfb: {  	[sflag:s29] =	ssyncset.done $0x0  }
0xfc: {  	[sflag:s29] =	ssyncadd.s32 $0xFFFFD800  }
0xfd: {  	v2 =	vld [tilespmem:$0x1880]  }
0xfe: {  	v3 =	vld [tilespmem:$0x1890]  }
0xff: {  	v4 =	vld [tilespmem:$0x18A0]  }
0x100: {  	v5 =	vld [tilespmem:$0x18B0]  }
0x101: {  	v6 =	vld [tilespmem:$0x18C0]  }
0x102: {  	v2 =	vadd.s32 v1, v2  }
0x103: {  	[tilespmem:$0x3880] =	vst v2;
	v2 =	vadd.s32 v1, v3  }
0x104: {  	[tilespmem:$0x3890] =	vst v2;
	v2 =	vadd.s32 v1, v4  }
0x105: {  	[tilespmem:$0x38A0] =	vst v2;
	v2 =	vadd.s32 v1, v5  }
0x106: {  	[tilespmem:$0x38B0] =	vst v2;
	v2 =	vadd.s32 v1, v6  }
0x107: {  	[tilespmem:$0x38C0] =	vst v2  }
0x108: {  	[tilespmem:s12], [sflag:$0x2] =	stream.indirect.gather [hbm4b:s6+s31], $0x80, s3, s31, $0xb8;
	[tilespmem:$0x1C900] =	vst v63  }
0x109: {  	_ =	swait.ge [sflag:s9], $0x2800  }
0x10a: {  	[sflag:s9] =	ssyncset.done $0x0  }
0x10b: {  	[sflag:s9] =	ssyncadd.s32 $0xFFFFD800  }
0x10c: {  	[spmem:s1] =	stream.indirect.scatter.add.f32 [tilespmem:s28], [sflag:$0x3], $0x80, s11, s31, $0xb8;
	[tilespmem:$0x1C900] =	vst v63  }
0x10d: {  	_ =	swait.ge [sflag:s29], $0x2800  }
0x10e: {  	[sflag:s29] =	ssyncset.done $0x0  }
0x10f: {  	[sflag:s29] =	ssyncadd.s32 $0xFFFFD800  }
0x110: {  	s22 =	sadd.s32 $0x1, s22;
	_ =	swait.ge [sflag:s7], $0x2800  }
0x111: {  	p0 =	sne.s32 s22, $0x5;
	[sflag:s7] =	ssyncset.done $0x0  }
.Ltmp3:
0x112: {  	[sflag:s7] =	ssyncadd.s32 $0xFFFFD800;
	(pc) =	sbr.rel @p0 .LBB2_5-.Ltmp3, $4  }
0x113: {  	[spmem:s1] =	stream.indirect.scatter.add.f32 [tilespmem:s12], [sflag:$0x3], $0x80, s15, s31, $0xb8;
	[tilespmem:$0x1C900] =	vst v63  }
0x114: {  	_ =	swait.ge [sflag:s29], $0x2800  }
0x115: {  	[sflag:s29] =	ssyncset.done $0x0  }
0x116: {  	[sflag:s29] =	ssyncadd.s32 $0xFFFFD800  }
0x117: {  	[bflag:$0x0] =	sbarrier.arrive $0xFFFF  }
0x118: {  	[tilespmem:s28], [sflag:$0x3] =	stream.linear.gather [spmem:s24], $0x2800, $0x38;
	[tilespmem:$0x1C900] =	vst v63  }
0x119: {  	s13 =	smul.u32 $0x140000, s17;
	_ =	swait.ge [sflag:s29], $0x2800  }
0x11a: {  	s14 =	rddreg [dreg:$0x3]  }
0x11b: {  	s14 =	sadd.s32 s13, s14  }
0x11c: {  	[sflag:s29] =	ssyncset.done $0x0;
	s14 =	sshrl.u32 s14, $0x3  }
0x11d: {  	[sflag:s29] =	ssyncadd.s32 $0xFFFFD800;
	s14 =	sadd.s32 s8, s14  }
0x11e: {  	[hbm4b:s14+s2] =	stream.linear.scatter [tilespmem:s28], [sflag:$0x3], $0x2800, $0x38;
	[tilespmem:$0x1C900] =	vst v63  }
0x11f: {  	_ =	swait.ge [sflag:s29], $0x2800  }
0x120: {  	[sflag:s29] =	ssyncset.done $0x0  }
0x121: {  	[sflag:s29] =	ssyncadd.s32 $0xFFFFD800  }
0x122: {  	[tilespmem:s28], [sflag:$0x3] =	stream.linear.gather [spmem:s25], $0x2800, $0x38;
	[tilespmem:$0x1C900] =	vst v63  }
0x123: {  	_ =	swait.ge [sflag:s29], $0x2800  }
0x124: {  	s22 =	rddreg [dreg:$0x5]  }
0x125: {  	s14 =	sadd.s32 s13, s22  }
0x126: {  	[sflag:s29] =	ssyncset.done $0x0;
	s14 =	sshrl.u32 s14, $0x3  }
0x127: {  	[sflag:s29] =	ssyncadd.s32 $0xFFFFD800;
	s14 =	sadd.s32 s8, s14  }
0x128: {  	[hbm4b:s14+s2] =	stream.linear.scatter [tilespmem:s28], [sflag:$0x3], $0x2800, $0x38;
	[tilespmem:$0x1C900] =	vst v63  }
0x129: {  	_ =	swait.ge [sflag:s29], $0x2800  }
0x12a: {  	[sflag:s29] =	ssyncset.done $0x0  }
0x12b: {  	[sflag:s29] =	ssyncadd.s32 $0xFFFFD800  }
0x12c: {  	[tilespmem:s28], [sflag:$0x3] =	stream.linear.gather [spmem:s26], $0x2800, $0x38;
	[tilespmem:$0x1C900] =	vst v63  }
0x12d: {  	_ =	swait.ge [sflag:s29], $0x2800  }
0x12e: {  	s23 =	rddreg [dreg:$0x7]  }
0x12f: {  	s14 =	sadd.s32 s13, s23  }
0x130: {  	[sflag:s29] =	ssyncset.done $0x0;
	s14 =	sshrl.u32 s14, $0x3  }
0x131: {  	[sflag:s29] =	ssyncadd.s32 $0xFFFFD800;
	s14 =	sadd.s32 s8, s14  }
0x132: {  	[hbm4b:s14+s2] =	stream.linear.scatter [tilespmem:s28], [sflag:$0x3], $0x2800, $0x38;
	[tilespmem:$0x1C900] =	vst v63  }
0x133: {  	_ =	swait.ge [sflag:s29], $0x2800  }
0x134: {  	[sflag:s29] =	ssyncset.done $0x0  }
0x135: {  	s22 =	rddreg [dreg:$0xa];
	[sflag:s29] =	ssyncadd.s32 $0xFFFFD800  }
0x136: {  	[tilespmem:s28], [sflag:$0x3] =	stream.linear.gather [spmem:s22], $0x2800, $0x38;
	[tilespmem:$0x1C900] =	vst v63  }
0x137: {  	_ =	swait.ge [sflag:s29], $0x2800  }
0x138: {  	s19 =	smov.u32 s24;
	s24 =	rddreg [dreg:$0x8]  }
0x139: {  	s14 =	sadd.s32 s13, s24  }
0x13a: {  	[sflag:s29] =	ssyncset.done $0x0;
	s14 =	sshrl.u32 s14, $0x3  }
0x13b: {  	[sflag:s29] =	ssyncadd.s32 $0xFFFFD800;
	s14 =	sadd.s32 s8, s14  }
0x13c: {  	[hbm4b:s14+s2] =	stream.linear.scatter [tilespmem:s28], [sflag:$0x3], $0x2800, $0x38;
	[tilespmem:$0x1C900] =	vst v63  }
0x13d: {  	_ =	swait.ge [sflag:s29], $0x2800  }
0x13e: {  	[sflag:s29] =	ssyncset.done $0x0  }
0x13f: {  	s23 =	rddreg [dreg:$0xb];
	[sflag:s29] =	ssyncadd.s32 $0xFFFFD800  }
0x140: {  	[tilespmem:s28], [sflag:$0x3] =	stream.linear.gather [spmem:s23], $0x2800, $0x38;
	[tilespmem:$0x1C900] =	vst v63  }
0x141: {  	_ =	swait.ge [sflag:s29], $0x2800  }
0x142: {  	s20 =	smov.u32 s25;
	s25 =	rddreg [dreg:$0x9]  }
0x143: {  	s14 =	sadd.s32 s13, s25  }
0x144: {  	[sflag:s29] =	ssyncset.done $0x0;
	s14 =	sshrl.u32 s14, $0x3  }
0x145: {  	[sflag:s29] =	ssyncadd.s32 $0xFFFFD800;
	s14 =	sadd.s32 s8, s14  }
0x146: {  	[hbm4b:s14+s2] =	stream.linear.scatter [tilespmem:s28], [sflag:$0x3], $0x2800, $0x38;
	[tilespmem:$0x1C900] =	vst v63  }
0x147: {  	_ =	swait.ge [sflag:s29], $0x2800  }
0x148: {  	[sflag:s29] =	ssyncset.done $0x0  }
0x149: {  	s21 =	smov.u32 s26;
	s26 =	rddreg [dreg:$0xf];
	[sflag:s29] =	ssyncadd.s32 $0xFFFFD800  }
0x14a: {  	[tilespmem:s28], [sflag:$0x3] =	stream.linear.gather [spmem:s26], $0x2800, $0x38;
	[tilespmem:$0x1C900] =	vst v63  }
0x14b: {  	_ =	swait.ge [sflag:s29], $0x2800  }
0x14c: {  	s17 =	rddreg [dreg:$0xc]  }
0x14d: {  	s14 =	sadd.s32 s13, s17  }
0x14e: {  	[sflag:s29] =	ssyncset.done $0x0;
	s14 =	sshrl.u32 s14, $0x3  }
0x14f: {  	[sflag:s29] =	ssyncadd.s32 $0xFFFFD800;
	s14 =	sadd.s32 s8, s14  }
0x150: {  	[hbm4b:s14+s2] =	stream.linear.scatter [tilespmem:s28], [sflag:$0x3], $0x2800, $0x38;
	[tilespmem:$0x1C900] =	vst v63  }
0x151: {  	_ =	swait.ge [sflag:s29], $0x2800  }
0x152: {  	[sflag:s29] =	ssyncset.done $0x0  }
0x153: {  	s18 =	rddreg [dreg:$0x10];
	[sflag:s29] =	ssyncadd.s32 $0xFFFFD800  }
0x154: {  	[tilespmem:s28], [sflag:$0x3] =	stream.linear.gather [spmem:s18], $0x2800, $0x38;
	[tilespmem:$0x1C900] =	vst v63  }
0x155: {  	_ =	swait.ge [sflag:s29], $0x2800  }
0x156: {  	s24 =	rddreg [dreg:$0xd]  }
0x157: {  	s14 =	sadd.s32 s13, s24  }
0x158: {  	[sflag:s29] =	ssyncset.done $0x0;
	s14 =	sshrl.u32 s14, $0x3  }
0x159: {  	[sflag:s29] =	ssyncadd.s32 $0xFFFFD800;
	s14 =	sadd.s32 s8, s14  }
0x15a: {  	[hbm4b:s14+s2] =	stream.linear.scatter [tilespmem:s28], [sflag:$0x3], $0x2800, $0x38;
	[tilespmem:$0x1C900] =	vst v63  }
0x15b: {  	_ =	swait.ge [sflag:s29], $0x2800  }
0x15c: {  	[sflag:s29] =	ssyncset.done $0x0  }
0x15d: {  	s25 =	rddreg [dreg:$0x11];
	[sflag:s29] =	ssyncadd.s32 $0xFFFFD800  }
0x15e: {  	[tilespmem:s28], [sflag:$0x3] =	stream.linear.gather [spmem:s25], $0x2800, $0x38;
	[tilespmem:$0x1C900] =	vst v63  }
0x15f: {  	_ =	swait.ge [sflag:s29], $0x2800  }
0x160: {  	s26 =	rddreg [dreg:$0xe]  }
0x161: {  	s16 =	sadd.s32 $0x1, s16;
	s13 =	sadd.s32 s13, s26  }
0x162: {  	p0 =	sne.s32 s16, $0x8;
	[sflag:s29] =	ssyncset.done $0x0;
	s13 =	sshrl.u32 s13, $0x3  }
.Ltmp4:
0x163: {  	[sflag:s29] =	ssyncadd.s32 $0xFFFFD800;
	s13 =	sadd.s32 s8, s13;
	(pc) =	sbr.rel @p0 .LBB2_2-.Ltmp4, $4  }
0x164: {  	[hbm4b:s13+s2] =	stream.linear.scatter [tilespmem:s28], [sflag:$0x3], $0x2800, $0x38;
	[tilespmem:$0x1C900] =	vst v63  }
0x165: {  	_ =	swait.ge [sflag:s29], $0x2800  }
0x166: {  	[sflag:s29] =	ssyncset.done $0x0  }
0x167: {  	[sflag:s29] =	ssyncadd.s32 $0xFFFFD800  }
0x168: {  	s14 =	rddreg [dreg:$0x12]  }
0x169: {  	s13 =	rddreg [dreg:$0x6];
	s14 =	sadd.s32 $0x1, s14  }
0x16a: {  	p0 =	sne.s32 s14, s13  }
.Ltmp5:
0x16b: {  	_ = 	snop;
	(pc) =	sbr.rel @p0 .LBB2_1-.Ltmp5, $1  }
0x16c: {  	_ =	sdelay $0x3  }
0x16d: {  	_ =	sfence.sel $0x180000  }
0x16e: {  	[bflag:$0x0] =	sbarrier.arrive $0xFFFF  }
0x16f: {  	_ =	strace $0x9000004A  }
0x170: {  	s0 =	stileid.u32;
	[bflag:$0x2] =	sbarrier.arrive $0xFFFF  }
0x171: {  	p0 =	sne.s32 s0, $0x0;
	s0 =	rddreg [dreg:$0x2]  }
0x172: {  	s0 =	sadd.s32 @!p0 $0x100000, s0  }
0x173: {  	[sflag:s0] =	ssyncadd.tile.s32 @!p0 $0x1;
	_ =	shalt  }
.Lfunc_end2:
_tile_overlayer_lowered:
.L_overlay_start_2:
0x174: {  	(tag) =	ssettag $0x2  }
0x175: {  	s0 =	rddreg [dreg:$0x0];
	s2 =	stileid.u32  }
0x176: {  	s1 =	rddreg [dreg:$0x1];
	p0 =	sne.s32 s2, $0x0  }
0x177: {  	s3 =	rddreg [dreg:$0x2];
	[bflag:$0x3] =	sbarrier.arrive $0xFFFF;
	s2 =	simm.s32 @!p0 $0x1C03  }
0x178: {  	[timem:s3], [sflag:s2] =	dma.local @!p0 [hbm:s0], s1  }
0x179: {  	s0 =	simm.s32 @!p0 $0x3  }
0x17a: {  	_ =	swait.ge @!p0 [sflag:s0], s1  }
0x17b: {  	s1 =	ssub.s32 @!p0 $0x0, s1;
	[sflag:s0] =	ssyncset.done @!p0 $0x0  }
0x17c: {  	[sflag:s0] =	ssyncadd.s32 @!p0 s1  }
0x17d: {  	[bflag:$0x3] =	sbarrier.arrive $0xFFFF  }
0x17e: {  	_ =	shalt  }

</sc_bundles>
